<compile_context>
chip_gen: v7x
topology: tpu7x:2x2x1
jax: 0.10.2.dev20260603
libtpu: 0.0.44.dev20260713+nightly
codegen_flags: <defaults>
</compile_context>

<pallas_src>
import functools

import jax
import jax.numpy as jnp
from jax import lax
from jax.experimental import pallas as pl
from jax.experimental.pallas import tpu as pltpu
from jax.experimental.pallas import tpu_sc as plsc

NC = 2
NS = 16
NW = NC * NS
K = 80


def _mesh():
    return plsc.VectorSubcoreMesh(core_axis_name="c", subcore_axis_name="s")


def _make_sc_degrees(NW_, NCH, K_, NB):
    @functools.partial(
        pl.kernel,
        mesh=_mesh(),
        out_type=jax.ShapeDtypeStruct((2, NW, NB // 128, 128), jnp.float32),
        compiler_params=pltpu.CompilerParams(needs_layout_passes=False),
        scratch_types=[
            pltpu.VMEM((NCH, K_), jnp.int32),
            pltpu.VMEM((NCH, K_), jnp.int32),
            pltpu.VMEM((NB // 128, 128), jnp.float32),
            pltpu.VMEM((NB // 128, 128), jnp.float32),
        ],
    )
    def sc_degrees(src3, dst3, zeros2, degp, sidx_v, didx_v, hs_v, hd_v):
        cid = lax.axis_index("c")
        sid = lax.axis_index("s")
        wid = cid * NS + sid
        pltpu.sync_copy(src3.at[wid], sidx_v)
        pltpu.sync_copy(dst3.at[wid], didx_v)
        pltpu.sync_copy(zeros2, hs_v)
        pltpu.sync_copy(zeros2, hd_v)

        ones16 = jnp.ones((16,), jnp.float32)

        @pl.loop(0, NCH)
        def chunk(j):
            for b in range(K_ // 16):
                s16 = sidx_v[j, pl.ds(b * 16, 16)]
                d16 = didx_v[j, pl.ds(b * 16, 16)]
                plsc.addupdate_scatter(hs_v, [s16 >> 7, s16 & 127], ones16)
                plsc.addupdate_scatter(hd_v, [d16 >> 7, d16 & 127], ones16)

        pltpu.sync_copy(hs_v, degp.at[0, wid])
        pltpu.sync_copy(hd_v, degp.at[1, wid])

    return sc_degrees


def _make_sc_agg(NW_, NCH, K_, NB, dim, n_rows):
    rows_per_tile = NB // NS

    @functools.partial(
        pl.kernel,
        mesh=_mesh(),
        out_type=jax.ShapeDtypeStruct((NC * NB, dim), jnp.float32),
        scratch_types=[
            pltpu.VMEM((NCH, K_), jnp.int32),
            pltpu.VMEM((NCH, K_), jnp.int32),
            pltpu.VMEM((K_, dim), jnp.float32),
            pltpu.VMEM((K_, dim), jnp.float32),
            pltpu.VMEM((K_, dim), jnp.float32),
            pltpu.VMEM((K_, dim), jnp.float32),
            pltpu.VMEM((K_, dim), jnp.float32),
            pltpu.VMEM_SHARED((NB, dim), jnp.float32),
            pltpu.SemaphoreType.DMA,
            pltpu.SemaphoreType.DMA,
            pltpu.SemaphoreType.DMA,
            pltpu.SemaphoreType.DMA,
            pltpu.SemaphoreType.DMA,
        ],
    )
    def sc_agg(hs, src3, dst3, zerosD, aggp, sidx_v, didx_v, rowsA, rowsB,
               rowsC, rowsD, rowsE, agg, semA, semB, semC, semD, semE):
        cid = lax.axis_index("c")
        sid = lax.axis_index("s")
        wid = cid * NS + sid
        pltpu.sync_copy(src3.at[wid], sidx_v)
        pltpu.sync_copy(dst3.at[wid], didx_v)
        pltpu.sync_copy(zerosD.at[pl.ds(sid * rows_per_tile, rows_per_tile)],
                        agg.at[pl.ds(sid * rows_per_tile, rows_per_tile)])
        plsc.subcore_barrier()

        rows = (rowsA, rowsB, rowsC, rowsD, rowsE)
        sems = (semA, semB, semC, semD, semE)
        nbuf = 5
        for b in range(nbuf):
            pltpu.async_copy(hs.at[sidx_v.at[b]], rows[b], sems[b])

        @pl.loop(0, NCH, step=nbuf)
        def grp(g):
            for b in range(nbuf):
                j = g + b

                @pl.when(j < NCH)
                def _():
                    pltpu.make_async_copy(hs.at[pl.ds(0, K_)], rows[b],
                                          sems[b]).wait()
                    pltpu.sync_copy(rows[b], agg.at[didx_v.at[j]], add=True)

                    @pl.when(j + nbuf < NCH)
                    def _():
                        pltpu.async_copy(hs.at[sidx_v.at[j + nbuf]], rows[b],
                                         sems[b])

        plsc.subcore_barrier()
        pltpu.sync_copy(
            agg.at[pl.ds(sid * rows_per_tile, rows_per_tile)],
            aggp.at[pl.ds(cid * NB + sid * rows_per_tile, rows_per_tile)])

    return sc_agg


def _make_sc_gather(NW_, NCH, K_, NB):
    rows_per_tile = NB // NS

    @functools.partial(
        pl.kernel,
        mesh=_mesh(),
        out_type=jax.ShapeDtypeStruct((NW, NCH, K_), jnp.float32),
        scratch_types=[
            pltpu.VMEM((NCH, K_), jnp.int32),
            pltpu.VMEM((NCH, K_), jnp.float32),
            pltpu.VMEM_SHARED((NB,), jnp.float32),
            pltpu.SemaphoreType.DMA,
        ],
    )
    def sc_gather(s1d, dst3, score3, didx_v, out_v, s_sp, sem):
        cid = lax.axis_index("c")
        sid = lax.axis_index("s")
        wid = cid * NS + sid
        pltpu.sync_copy(dst3.at[wid], didx_v)

        @pl.when(sid == 0)
        def _():
            pltpu.sync_copy(s1d, s_sp)

        plsc.subcore_barrier()

        @pl.loop(0, NCH, step=8)
        def grp(g):
            for b in range(8):
                j = g + b

                @pl.when(j < NCH)
                def _():
                    pltpu.async_copy(s_sp.at[didx_v.at[j]], out_v.at[j], sem)

            for b in range(8):
                j = g + b

                @pl.when(j < NCH)
                def _():
                    pltpu.make_async_copy(s1d.at[pl.ds(0, K_)], out_v.at[j],
                                          sem).wait()

        pltpu.sync_copy(out_v, score3.at[wid])

    return sc_gather


def _tc_scale_body(degp_ref, h_ref, hs_ref, *, NB, N_drug):
    dsrc = jnp.sum(degp_ref[0], axis=1, keepdims=True)
    on = lax.rsqrt(jnp.clip(dsrc, 1.0, None))
    hs_ref[...] = h_ref[...] * on


def _tc_mlp_body(aggp_ref, degp_ref, W_ref, b_ref, W1_ref, b1_ref, g1_ref,
                 be1_ref, W2_ref, b2_ref, g2_ref, be2_ref, W3_ref, b3_ref,
                 s_ref, *, NB, dim, E):
    f32 = jnp.float32
    agg = aggp_ref[0:NB, :] + aggp_ref[NB:2 * NB, :]
    ddst = jnp.sum(degp_ref[1], axis=1, keepdims=True)
    in_norm = lax.rsqrt(jnp.clip(ddst, 1.0, None))
    agg2 = agg * in_norm
    h_di = jnp.dot(agg2, W_ref[0:dim, :], preferred_element_type=f32) + b_ref[...]
    z1 = (jnp.dot(h_di, W1_ref[2 * dim:4 * dim, :], preferred_element_type=f32)
          + jnp.dot(b_ref[...], W1_ref[0:2 * dim, :], preferred_element_type=f32)
          + b1_ref[...])
    w = ddst * (1.0 / E)
    m1 = jnp.sum(z1 * w, axis=0, keepdims=True)
    d1 = z1 - m1
    v1 = jnp.sum(d1 * d1 * w, axis=0, keepdims=True)
    z2 = jnp.maximum(d1 / jnp.sqrt(v1 + 1e-5) * g1_ref[...] + be1_ref[...], 0.0)
    x2 = jnp.dot(z2, W2_ref[...], preferred_element_type=f32) + b2_ref[...]
    m2 = jnp.sum(x2 * w, axis=0, keepdims=True)
    d2 = x2 - m2
    v2 = jnp.sum(d2 * d2 * w, axis=0, keepdims=True)
    z3 = jnp.maximum(d2 / jnp.sqrt(v2 + 1e-5) * g2_ref[...] + be2_ref[...], 0.0)
    sc = jnp.dot(z3, W3_ref[...], preferred_element_type=f32) + b3_ref[...]
    s_ref[...] = jax.nn.sigmoid(sc)


def kernel(h_drug, d_disease, edge_index, W, b, W1, b1, g1, be1, W2, b2, g2,
           be2, W3, b3):
    N_drug, dim = h_drug.shape
    N_dis = d_disease.shape[0]
    E = edge_index.shape[1]
    EP = E // NW
    NCH = EP // K
    NB = ((max(N_drug, N_dis) + 127) // 128) * 128

    src = edge_index[0].astype(jnp.int32)
    dst = edge_index[1].astype(jnp.int32)
    src3 = src.reshape(NW, NCH, K)
    dst3 = dst.reshape(NW, NCH, K)

    zerosD = jnp.zeros((NB, dim), jnp.float32)
    zeros2 = jnp.zeros((NB // 128, 128), jnp.float32)

    degp = _make_sc_degrees(NW, NCH, K, NB)(src3, dst3, zeros2)
    degp = degp.reshape(2, NW, NB).transpose(0, 2, 1)

    h_pad = jnp.zeros((NB, dim), jnp.float32).at[:N_drug].set(h_drug)
    hs = pl.pallas_call(
        functools.partial(_tc_scale_body, NB=NB, N_drug=N_drug),
        out_shape=jax.ShapeDtypeStruct((NB, dim), jnp.float32),
    )(degp, h_pad)

    aggp = _make_sc_agg(NW, NCH, K, NB, dim, N_dis)(hs, src3, dst3, zerosD)

    s = pl.pallas_call(
        functools.partial(_tc_mlp_body, NB=NB, dim=dim, E=E),
        out_shape=jax.ShapeDtypeStruct((NB, 1), jnp.float32),
    )(aggp, degp, W, b.reshape(1, -1), W1, b1.reshape(1, -1),
      g1.reshape(1, -1), be1.reshape(1, -1), W2, b2.reshape(1, -1),
      g2.reshape(1, -1), be2.reshape(1, -1), W3, b3.reshape(1, -1))

    score3 = _make_sc_gather(NW, NCH, K, NB)(s.reshape(NB), dst3)
    return score3.reshape(E)

# --- scband reference (transcript-rebuilt; emitter-appended) ---
"""Pipeline reference for scband-gcnpredictor-81097572483640 (READ-ONLY COPY).

The authoritative reference and input builder live on the scoring server;
editing this copy changes nothing except your own understanding.
"""

import jax, jax.numpy as jnp
import numpy as np


def _bn(x, gamma, beta, eps=1e-5):
    # BatchNorm1d, training-mode forward (batch statistics, biased variance)
    mean = jnp.mean(x, axis=0)
    var = jnp.mean((x - mean) ** 2, axis=0)
    return (x - mean) / jnp.sqrt(var + eps) * gamma + beta


def setup_inputs(seed: int = 0) -> dict:
    key = jax.random.key(seed)
    ks = jax.random.split(key, 10)
    N_drug, N_dis, dim, E = 5000, 5000, 128, 320000
    d2, d4 = 2 * dim, 4 * dim
    h_drug = jax.random.normal(ks[0], (N_drug, dim), jnp.float32)
    d_disease = jax.random.normal(ks[1], (N_dis, dim), jnp.float32)
    src = jax.random.randint(ks[2], (E,), 0, N_drug)
    dst = jax.random.randint(ks[3], (E,), 0, N_dis)
    edge_index = jnp.stack([src, dst]).astype(jnp.int64)

    def gl(k, shape):
        return jax.random.normal(k, shape, jnp.float32) * (1.0 / np.sqrt(shape[0]))

    W = gl(ks[4], (d2, d2))
    b = jnp.zeros((d2,), jnp.float32)
    W1 = gl(ks[5], (d4, d2))
    b1 = jnp.zeros((d2,), jnp.float32)
    g1 = jnp.ones((d2,), jnp.float32)
    be1 = jnp.zeros((d2,), jnp.float32)
    W2 = gl(ks[6], (d2, dim))
    b2 = jnp.zeros((dim,), jnp.float32)
    g2 = jnp.ones((dim,), jnp.float32)
    be2 = jnp.zeros((dim,), jnp.float32)
    W3 = gl(ks[7], (dim, 1))
    b3 = jnp.zeros((1,), jnp.float32)
    return {"h_drug": h_drug, "d_disease": d_disease, "edge_index": edge_index,
            "W": W, "b": b, "W1": W1, "b1": b1, "g1": g1, "be1": be1,
            "W2": W2, "b2": b2, "g2": g2, "be2": be2, "W3": W3, "b3": b3}


def reference(h_drug, d_disease, edge_index, W, b, W1, b1, g1, be1, W2, b2, g2, be2, W3, b3):
    dim = h_drug.shape[1]
    N_drug = h_drug.shape[0]
    N_dis = d_disease.shape[0]
    N = N_drug + N_dis
    E = edge_index.shape[1]
    # pad features: drugs [h_drug | 0], diseases [0 | d_disease]
    feat_drug = jnp.concatenate([h_drug, jnp.zeros((N_drug, dim), h_drug.dtype)], axis=-1)
    feat_dis = jnp.concatenate([jnp.zeros((N_dis, dim), d_disease.dtype), d_disease], axis=-1)
    feat = jnp.concatenate([feat_drug, feat_dis], axis=0)  # [N, 2*dim]
    # homogeneous graph: drugs 0..N_drug-1, diseases offset by N_drug
    src = edge_index[0]
    dst = edge_index[1] + N_drug
    ones = jnp.ones((E,), jnp.float32)
    out_deg = jax.ops.segment_sum(ones, src, num_segments=N)
    in_deg = jax.ops.segment_sum(ones, dst, num_segments=N)
    out_norm = jnp.power(jnp.clip(out_deg, 1.0, None), -0.5)
    in_norm = jnp.power(jnp.clip(in_deg, 1.0, None), -0.5)
    # DGL GraphConv norm='both': scale src, sum-aggregate, scale dst, then linear
    feat_n = feat * out_norm[:, None]
    msg = jnp.take(feat_n, src, axis=0)
    agg = jax.ops.segment_sum(msg, dst, num_segments=N)
    rst = agg * in_norm[:, None]
    rst = rst @ W + b
    h_dr = rst[:N_drug]
    h_di = rst[N_drug:]
    # per-edge MLP score on cat(src_h, dst_h)
    h = jnp.concatenate([jnp.take(h_dr, edge_index[0], axis=0), jnp.take(h_di, edge_index[1], axis=0)], axis=1)
    x = h @ W1 + b1
    x = jax.nn.relu(_bn(x, g1, be1))
    x = x @ W2 + b2
    x = jax.nn.relu(_bn(x, g2, be2))
    x = x @ W3 + b3
    score = jax.nn.sigmoid(x).squeeze(1)
    return score

if __name__ == "__main__":
    import jax
    _d = setup_inputs()
    print(jax.jit(kernel)(*tuple(_d.values())))

</pallas_src>

<mosaic_0001>
#map = affine_map<(d0, d1) -> (0, 0, 0)>
#map1 = affine_map<(d0, d1) -> (0, 0)>
#map2 = affine_map<(d0, d1) -> (0, 0, 0, 0)>
module attributes {stable_mosaic.version = 14 : i64} {
  func.func @sc_degrees(%arg0: i32, %arg1: i32, %arg2: memref<32x125x80xi32, #tpu.memory_space<hbm>>, %arg3: memref<32x125x80xi32, #tpu.memory_space<hbm>>, %arg4: memref<40x128xf32, #tpu.memory_space<hbm>>, %arg5: memref<2x32x40x128xf32, #tpu.memory_space<hbm>>, %arg6: memref<125x80xi32, #tpu.memory_space<vmem>>, %arg7: memref<125x80xi32, #tpu.memory_space<vmem>>, %arg8: memref<40x128xf32, #tpu.memory_space<vmem>>, %arg9: memref<40x128xf32, #tpu.memory_space<vmem>>) attributes {dimension_semantics = [#tpu.dimension_semantics<core_parallel>, #tpu.dimension_semantics<subcore_parallel>], iteration_bounds = array<i64: 2, 16>, scalar_prefetch = 0 : i64, scratch_operands = 4 : i64, tpu.core_type = #tpu.core_type<sc_vector_subcore>, window_params = [{transform_indices = #map}, {transform_indices = #map}, {transform_indices = #map1}, {transform_indices = #map2}]} {
    %mul3A = arith.constant 16 : i32
    %mul3A_0 = arith.muli %arg0, %mul3A : i32
    %add3A = arith.addi %mul3A_0, %arg1 : i32
    "tpu.region"() ({
      %run_scoped3A_7 = tpu.sem_alloc : memref<!tpu.dma_semaphore, #tpu.memory_space<semaphore_mem>>
      %dma_start3A = arith.constant 0 : i32
      %dma_start3A_8 = arith.constant 0 : i32
      %dma_start3A_9 = tpu.memref_slice %arg2[%add3A, %dma_start3A, %dma_start3A_8] : memref<32x125x80xi32, #tpu.memory_space<hbm>> -> memref<1x125x80xi32, #tpu.memory_space<hbm>>
      %dma_start3A_10 = tpu.memref_squeeze %dma_start3A_9 : memref<1x125x80xi32, #tpu.memory_space<hbm>> -> memref<125x80xi32, #tpu.memory_space<hbm>>
      %dma_start3A_11 = arith.constant 0 : i32
      %dma_start3A_12 = arith.constant 0 : i32
      %dma_start3A_13 = tpu.memref_slice %arg2[%add3A, %dma_start3A_11, %dma_start3A_12] : memref<32x125x80xi32, #tpu.memory_space<hbm>> -> memref<1x125x80xi32, #tpu.memory_space<hbm>>
      %dma_start3A_14 = tpu.memref_squeeze %dma_start3A_13 : memref<1x125x80xi32, #tpu.memory_space<hbm>> -> memref<125x80xi32, #tpu.memory_space<hbm>>
      tpu.enqueue_dma source(%dma_start3A_14 : memref<125x80xi32, #tpu.memory_space<hbm>>) target(%arg6 : memref<125x80xi32, #tpu.memory_space<vmem>>) target_semaphore(%run_scoped3A_7 : memref<!tpu.dma_semaphore, #tpu.memory_space<semaphore_mem>>)
      %dma_wait3A = arith.constant 0 : i32
      %dma_wait3A_15 = arith.constant 0 : i32
      %dma_wait3A_16 = tpu.memref_slice %arg2[%add3A, %dma_wait3A, %dma_wait3A_15] : memref<32x125x80xi32, #tpu.memory_space<hbm>> -> memref<1x125x80xi32, #tpu.memory_space<hbm>>
      %dma_wait3A_17 = tpu.memref_squeeze %dma_wait3A_16 : memref<1x125x80xi32, #tpu.memory_space<hbm>> -> memref<125x80xi32, #tpu.memory_space<hbm>>
      %dma_wait3A_18 = arith.constant 0 : i32
      %dma_wait3A_19 = arith.constant 0 : i32
      %dma_wait3A_20 = tpu.memref_slice %arg2[%add3A, %dma_wait3A_18, %dma_wait3A_19] : memref<32x125x80xi32, #tpu.memory_space<hbm>> -> memref<1x125x80xi32, #tpu.memory_space<hbm>>
      %dma_wait3A_21 = tpu.memref_squeeze %dma_wait3A_20 : memref<1x125x80xi32, #tpu.memory_space<hbm>> -> memref<125x80xi32, #tpu.memory_space<hbm>>
      tpu.wait_dma2 semaphore(%run_scoped3A_7 : memref<!tpu.dma_semaphore, #tpu.memory_space<semaphore_mem>>) src(%dma_wait3A_21 : memref<125x80xi32, #tpu.memory_space<hbm>>) dst(%arg6 : memref<125x80xi32, #tpu.memory_space<vmem>>)
      tpu.yield
    }) : () -> ()
    "tpu.region"() ({
      %run_scoped3A_7 = tpu.sem_alloc : memref<!tpu.dma_semaphore, #tpu.memory_space<semaphore_mem>>
      %dma_start3A = arith.constant 0 : i32
      %dma_start3A_8 = arith.constant 0 : i32
      %dma_start3A_9 = tpu.memref_slice %arg3[%add3A, %dma_start3A, %dma_start3A_8] : memref<32x125x80xi32, #tpu.memory_space<hbm>> -> memref<1x125x80xi32, #tpu.memory_space<hbm>>
      %dma_start3A_10 = tpu.memref_squeeze %dma_start3A_9 : memref<1x125x80xi32, #tpu.memory_space<hbm>> -> memref<125x80xi32, #tpu.memory_space<hbm>>
      %dma_start3A_11 = arith.constant 0 : i32
      %dma_start3A_12 = arith.constant 0 : i32
      %dma_start3A_13 = tpu.memref_slice %arg3[%add3A, %dma_start3A_11, %dma_start3A_12] : memref<32x125x80xi32, #tpu.memory_space<hbm>> -> memref<1x125x80xi32, #tpu.memory_space<hbm>>
      %dma_start3A_14 = tpu.memref_squeeze %dma_start3A_13 : memref<1x125x80xi32, #tpu.memory_space<hbm>> -> memref<125x80xi32, #tpu.memory_space<hbm>>
      tpu.enqueue_dma source(%dma_start3A_14 : memref<125x80xi32, #tpu.memory_space<hbm>>) target(%arg7 : memref<125x80xi32, #tpu.memory_space<vmem>>) target_semaphore(%run_scoped3A_7 : memref<!tpu.dma_semaphore, #tpu.memory_space<semaphore_mem>>)
      %dma_wait3A = arith.constant 0 : i32
      %dma_wait3A_15 = arith.constant 0 : i32
      %dma_wait3A_16 = tpu.memref_slice %arg3[%add3A, %dma_wait3A, %dma_wait3A_15] : memref<32x125x80xi32, #tpu.memory_space<hbm>> -> memref<1x125x80xi32, #tpu.memory_space<hbm>>
      %dma_wait3A_17 = tpu.memref_squeeze %dma_wait3A_16 : memref<1x125x80xi32, #tpu.memory_space<hbm>> -> memref<125x80xi32, #tpu.memory_space<hbm>>
      %dma_wait3A_18 = arith.constant 0 : i32
      %dma_wait3A_19 = arith.constant 0 : i32
      %dma_wait3A_20 = tpu.memref_slice %arg3[%add3A, %dma_wait3A_18, %dma_wait3A_19] : memref<32x125x80xi32, #tpu.memory_space<hbm>> -> memref<1x125x80xi32, #tpu.memory_space<hbm>>
      %dma_wait3A_21 = tpu.memref_squeeze %dma_wait3A_20 : memref<1x125x80xi32, #tpu.memory_space<hbm>> -> memref<125x80xi32, #tpu.memory_space<hbm>>
      tpu.wait_dma2 semaphore(%run_scoped3A_7 : memref<!tpu.dma_semaphore, #tpu.memory_space<semaphore_mem>>) src(%dma_wait3A_21 : memref<125x80xi32, #tpu.memory_space<hbm>>) dst(%arg7 : memref<125x80xi32, #tpu.memory_space<vmem>>)
      tpu.yield
    }) : () -> ()
    "tpu.region"() ({
      %run_scoped3A_7 = tpu.sem_alloc : memref<!tpu.dma_semaphore, #tpu.memory_space<semaphore_mem>>
      tpu.enqueue_dma source(%arg4 : memref<40x128xf32, #tpu.memory_space<hbm>>) target(%arg8 : memref<40x128xf32, #tpu.memory_space<vmem>>) target_semaphore(%run_scoped3A_7 : memref<!tpu.dma_semaphore, #tpu.memory_space<semaphore_mem>>)
      tpu.wait_dma2 semaphore(%run_scoped3A_7 : memref<!tpu.dma_semaphore, #tpu.memory_space<semaphore_mem>>) src(%arg4 : memref<40x128xf32, #tpu.memory_space<hbm>>) dst(%arg8 : memref<40x128xf32, #tpu.memory_space<vmem>>)
      tpu.yield
    }) : () -> ()
    "tpu.region"() ({
      %run_scoped3A_7 = tpu.sem_alloc : memref<!tpu.dma_semaphore, #tpu.memory_space<semaphore_mem>>
      tpu.enqueue_dma source(%arg4 : memref<40x128xf32, #tpu.memory_space<hbm>>) target(%arg9 : memref<40x128xf32, #tpu.memory_space<vmem>>) target_semaphore(%run_scoped3A_7 : memref<!tpu.dma_semaphore, #tpu.memory_space<semaphore_mem>>)
      tpu.wait_dma2 semaphore(%run_scoped3A_7 : memref<!tpu.dma_semaphore, #tpu.memory_space<semaphore_mem>>) src(%arg4 : memref<40x128xf32, #tpu.memory_space<hbm>>) dst(%arg9 : memref<40x128xf32, #tpu.memory_space<vmem>>)
      tpu.yield
    }) : () -> ()
    %broadcast_in_dim3A = arith.constant 1.000000e+00 : f32
    %broadcast_in_dim3A_1 = vector.broadcast %broadcast_in_dim3A : f32 to vector<16xf32>
    %scan3A = arith.constant 0 : i32
    %scan3A_2 = arith.constant 125 : i32
    %scan3A_3 = arith.addi %scan3A, %scan3A_2 : i32
    %scan3A_4 = arith.constant 1 : i32
    scf.for %scan3A_7 = %scan3A to %scan3A_3 step %scan3A_4  : i32 {
      %mul3A_8 = arith.constant 1 : i32
      %mul3A_9 = arith.muli %scan3A_7, %mul3A_8 : i32
      %add3A_10 = arith.constant 0 : i32
      %add3A_11 = arith.addi %add3A_10, %mul3A_9 : i32
      %get3A = arith.index_cast %add3A_11 : i32 to index
      %get3A_12 = arith.constant 0 : index
      %get3A_13 = tpu.vector_load %arg6[%get3A, %get3A_12] {strides = array<i32>} : memref<125x80xi32, #tpu.memory_space<vmem>>, vector<16xi32>,
      %get3A_14 = arith.index_cast %add3A_11 : i32 to index
      %get3A_15 = arith.constant 0 : index
      %get3A_16 = tpu.vector_load %arg7[%get3A_14, %get3A_15] {strides = array<i32>} : memref<125x80xi32, #tpu.memory_space<vmem>>, vector<16xi32>,
      %shift_right_arithmetic3A = arith.constant 7 : i32
      %shift_right_arithmetic3A_17 = vector.broadcast %shift_right_arithmetic3A : i32 to vector<16xi32>
      %shift_right_arithmetic3A_18 = arith.shrsi %get3A_13, %shift_right_arithmetic3A_17 : vector<16xi32>
      %and3A = arith.constant 127 : i32
      %and3A_19 = vector.broadcast %and3A : i32 to vector<16xi32>
      %and3A_20 = arith.andi %get3A_13, %and3A_19 : vector<16xi32>
      tpu.vector_store_idx %arg8[%shift_right_arithmetic3A_18, %and3A_20], %broadcast_in_dim3A_1 {add = true} : memref<40x128xf32, #tpu.memory_space<vmem>>[vector<16xi32>, vector<16xi32>], vector<16xf32>,
      %shift_right_arithmetic3A_21 = arith.constant 7 : i32
      %shift_right_arithmetic3A_22 = vector.broadcast %shift_right_arithmetic3A_21 : i32 to vector<16xi32>
      %shift_right_arithmetic3A_23 = arith.shrsi %get3A_16, %shift_right_arithmetic3A_22 : vector<16xi32>
      %and3A_24 = arith.constant 127 : i32
      %and3A_25 = vector.broadcast %and3A_24 : i32 to vector<16xi32>
      %and3A_26 = arith.andi %get3A_16, %and3A_25 : vector<16xi32>
      tpu.vector_store_idx %arg9[%shift_right_arithmetic3A_23, %and3A_26], %broadcast_in_dim3A_1 {add = true} : memref<40x128xf32, #tpu.memory_space<vmem>>[vector<16xi32>, vector<16xi32>], vector<16xf32>,
      %get3A_27 = arith.index_cast %add3A_11 : i32 to index
      %get3A_28 = arith.constant 16 : index
      %get3A_29 = tpu.vector_load %arg6[%get3A_27, %get3A_28] {strides = array<i32>} : memref<125x80xi32, #tpu.memory_space<vmem>>, vector<16xi32>,
      %get3A_30 = arith.index_cast %add3A_11 : i32 to index
      %get3A_31 = arith.constant 16 : index
      %get3A_32 = tpu.vector_load %arg7[%get3A_30, %get3A_31] {strides = array<i32>} : memref<125x80xi32, #tpu.memory_space<vmem>>, vector<16xi32>,
      %shift_right_arithmetic3A_33 = arith.constant 7 : i32
      %shift_right_arithmetic3A_34 = vector.broadcast %shift_right_arithmetic3A_33 : i32 to vector<16xi32>
      %shift_right_arithmetic3A_35 = arith.shrsi %get3A_29, %shift_right_arithmetic3A_34 : vector<16xi32>
      %and3A_36 = arith.constant 127 : i32
      %and3A_37 = vector.broadcast %and3A_36 : i32 to vector<16xi32>
      %and3A_38 = arith.andi %get3A_29, %and3A_37 : vector<16xi32>
      tpu.vector_store_idx %arg8[%shift_right_arithmetic3A_35, %and3A_38], %broadcast_in_dim3A_1 {add = true} : memref<40x128xf32, #tpu.memory_space<vmem>>[vector<16xi32>, vector<16xi32>], vector<16xf32>,
      %shift_right_arithmetic3A_39 = arith.constant 7 : i32
      %shift_right_arithmetic3A_40 = vector.broadcast %shift_right_arithmetic3A_39 : i32 to vector<16xi32>
      %shift_right_arithmetic3A_41 = arith.shrsi %get3A_32, %shift_right_arithmetic3A_40 : vector<16xi32>
      %and3A_42 = arith.constant 127 : i32
      %and3A_43 = vector.broadcast %and3A_42 : i32 to vector<16xi32>
      %and3A_44 = arith.andi %get3A_32, %and3A_43 : vector<16xi32>
      tpu.vector_store_idx %arg9[%shift_right_arithmetic3A_41, %and3A_44], %broadcast_in_dim3A_1 {add = true} : memref<40x128xf32, #tpu.memory_space<vmem>>[vector<16xi32>, vector<16xi32>], vector<16xf32>,
      %get3A_45 = arith.index_cast %add3A_11 : i32 to index
      %get3A_46 = arith.constant 32 : index
      %get3A_47 = tpu.vector_load %arg6[%get3A_45, %get3A_46] {strides = array<i32>} : memref<125x80xi32, #tpu.memory_space<vmem>>, vector<16xi32>,
      %get3A_48 = arith.index_cast %add3A_11 : i32 to index
      %get3A_49 = arith.constant 32 : index
      %get3A_50 = tpu.vector_load %arg7[%get3A_48, %get3A_49] {strides = array<i32>} : memref<125x80xi32, #tpu.memory_space<vmem>>, vector<16xi32>,
      %shift_right_arithmetic3A_51 = arith.constant 7 : i32
      %shift_right_arithmetic3A_52 = vector.broadcast %shift_right_arithmetic3A_51 : i32 to vector<16xi32>
      %shift_right_arithmetic3A_53 = arith.shrsi %get3A_47, %shift_right_arithmetic3A_52 : vector<16xi32>
      %and3A_54 = arith.constant 127 : i32
      %and3A_55 = vector.broadcast %and3A_54 : i32 to vector<16xi32>
      %and3A_56 = arith.andi %get3A_47, %and3A_55 : vector<16xi32>
      tpu.vector_store_idx %arg8[%shift_right_arithmetic3A_53, %and3A_56], %broadcast_in_dim3A_1 {add = true} : memref<40x128xf32, #tpu.memory_space<vmem>>[vector<16xi32>, vector<16xi32>], vector<16xf32>,
      %shift_right_arithmetic3A_57 = arith.constant 7 : i32
      %shift_right_arithmetic3A_58 = vector.broadcast %shift_right_arithmetic3A_57 : i32 to vector<16xi32>
      %shift_right_arithmetic3A_59 = arith.shrsi %get3A_50, %shift_right_arithmetic3A_58 : vector<16xi32>
      %and3A_60 = arith.constant 127 : i32
      %and3A_61 = vector.broadcast %and3A_60 : i32 to vector<16xi32>
      %and3A_62 = arith.andi %get3A_50, %and3A_61 : vector<16xi32>
      tpu.vector_store_idx %arg9[%shift_right_arithmetic3A_59, %and3A_62], %broadcast_in_dim3A_1 {add = true} : memref<40x128xf32, #tpu.memory_space<vmem>>[vector<16xi32>, vector<16xi32>], vector<16xf32>,
      %get3A_63 = arith.index_cast %add3A_11 : i32 to index
      %get3A_64 = arith.constant 48 : index
      %get3A_65 = tpu.vector_load %arg6[%get3A_63, %get3A_64] {strides = array<i32>} : memref<125x80xi32, #tpu.memory_space<vmem>>, vector<16xi32>,
      %get3A_66 = arith.index_cast %add3A_11 : i32 to index
      %get3A_67 = arith.constant 48 : index
      %get3A_68 = tpu.vector_load %arg7[%get3A_66, %get3A_67] {strides = array<i32>} : memref<125x80xi32, #tpu.memory_space<vmem>>, vector<16xi32>,
      %shift_right_arithmetic3A_69 = arith.constant 7 : i32
      %shift_right_arithmetic3A_70 = vector.broadcast %shift_right_arithmetic3A_69 : i32 to vector<16xi32>
      %shift_right_arithmetic3A_71 = arith.shrsi %get3A_65, %shift_right_arithmetic3A_70 : vector<16xi32>
      %and3A_72 = arith.constant 127 : i32
      %and3A_73 = vector.broadcast %and3A_72 : i32 to vector<16xi32>
      %and3A_74 = arith.andi %get3A_65, %and3A_73 : vector<16xi32>
      tpu.vector_store_idx %arg8[%shift_right_arithmetic3A_71, %and3A_74], %broadcast_in_dim3A_1 {add = true} : memref<40x128xf32, #tpu.memory_space<vmem>>[vector<16xi32>, vector<16xi32>], vector<16xf32>,
      %shift_right_arithmetic3A_75 = arith.constant 7 : i32
      %shift_right_arithmetic3A_76 = vector.broadcast %shift_right_arithmetic3A_75 : i32 to vector<16xi32>
      %shift_right_arithmetic3A_77 = arith.shrsi %get3A_68, %shift_right_arithmetic3A_76 : vector<16xi32>
      %and3A_78 = arith.constant 127 : i32
      %and3A_79 = vector.broadcast %and3A_78 : i32 to vector<16xi32>
      %and3A_80 = arith.andi %get3A_68, %and3A_79 : vector<16xi32>
      tpu.vector_store_idx %arg9[%shift_right_arithmetic3A_77, %and3A_80], %broadcast_in_dim3A_1 {add = true} : memref<40x128xf32, #tpu.memory_space<vmem>>[vector<16xi32>, vector<16xi32>], vector<16xf32>,
      %get3A_81 = arith.index_cast %add3A_11 : i32 to index
      %get3A_82 = arith.constant 64 : index
      %get3A_83 = tpu.vector_load %arg6[%get3A_81, %get3A_82] {strides = array<i32>} : memref<125x80xi32, #tpu.memory_space<vmem>>, vector<16xi32>,
      %get3A_84 = arith.index_cast %add3A_11 : i32 to index
      %get3A_85 = arith.constant 64 : index
      %get3A_86 = tpu.vector_load %arg7[%get3A_84, %get3A_85] {strides = array<i32>} : memref<125x80xi32, #tpu.memory_space<vmem>>, vector<16xi32>,
      %shift_right_arithmetic3A_87 = arith.constant 7 : i32
      %shift_right_arithmetic3A_88 = vector.broadcast %shift_right_arithmetic3A_87 : i32 to vector<16xi32>
      %shift_right_arithmetic3A_89 = arith.shrsi %get3A_83, %shift_right_arithmetic3A_88 : vector<16xi32>
      %and3A_90 = arith.constant 127 : i32
      %and3A_91 = vector.broadcast %and3A_90 : i32 to vector<16xi32>
      %and3A_92 = arith.andi %get3A_83, %and3A_91 : vector<16xi32>
      tpu.vector_store_idx %arg8[%shift_right_arithmetic3A_89, %and3A_92], %broadcast_in_dim3A_1 {add = true} : memref<40x128xf32, #tpu.memory_space<vmem>>[vector<16xi32>, vector<16xi32>], vector<16xf32>,
      %shift_right_arithmetic3A_93 = arith.constant 7 : i32
      %shift_right_arithmetic3A_94 = vector.broadcast %shift_right_arithmetic3A_93 : i32 to vector<16xi32>
      %shift_right_arithmetic3A_95 = arith.shrsi %get3A_86, %shift_right_arithmetic3A_94 : vector<16xi32>
      %and3A_96 = arith.constant 127 : i32
      %and3A_97 = vector.broadcast %and3A_96 : i32 to vector<16xi32>
      %and3A_98 = arith.andi %get3A_86, %and3A_97 : vector<16xi32>
      tpu.vector_store_idx %arg9[%shift_right_arithmetic3A_95, %and3A_98], %broadcast_in_dim3A_1 {add = true} : memref<40x128xf32, #tpu.memory_space<vmem>>[vector<16xi32>, vector<16xi32>], vector<16xf32>,
    }
    %scan3A_5 = arith.constant 125 : i32
    %run_scoped3A = arith.constant 0 : i32
    "tpu.region"() ({
      %run_scoped3A_7 = tpu.sem_alloc : memref<!tpu.dma_semaphore, #tpu.memory_space<semaphore_mem>>
      %dma_start3A = arith.constant 0 : i32
      %dma_start3A_8 = arith.constant 0 : i32
      %dma_start3A_9 = tpu.memref_slice %arg5[%run_scoped3A, %add3A, %dma_start3A, %dma_start3A_8] : memref<2x32x40x128xf32, #tpu.memory_space<hbm>> -> memref<1x1x40x128xf32, #tpu.memory_space<hbm>>
      %dma_start3A_10 = tpu.memref_squeeze %dma_start3A_9 : memref<1x1x40x128xf32, #tpu.memory_space<hbm>> -> memref<40x128xf32, #tpu.memory_space<hbm>>
      %dma_start3A_11 = arith.constant 0 : i32
      %dma_start3A_12 = arith.constant 0 : i32
      %dma_start3A_13 = tpu.memref_slice %arg5[%run_scoped3A, %add3A, %dma_start3A_11, %dma_start3A_12] : memref<2x32x40x128xf32, #tpu.memory_space<hbm>> -> memref<1x1x40x128xf32, #tpu.memory_space<hbm>>
      %dma_start3A_14 = tpu.memref_squeeze %dma_start3A_13 : memref<1x1x40x128xf32, #tpu.memory_space<hbm>> -> memref<40x128xf32, #tpu.memory_space<hbm>>
      tpu.enqueue_dma source(%arg8 : memref<40x128xf32, #tpu.memory_space<vmem>>) target(%dma_start3A_14 : memref<40x128xf32, #tpu.memory_space<hbm>>) target_semaphore(%run_scoped3A_7 : memref<!tpu.dma_semaphore, #tpu.memory_space<semaphore_mem>>)
      %dma_wait3A = arith.constant 0 : i32
      %dma_wait3A_15 = arith.constant 0 : i32
      %dma_wait3A_16 = tpu.memref_slice %arg5[%run_scoped3A, %add3A, %dma_wait3A, %dma_wait3A_15] : memref<2x32x40x128xf32, #tpu.memory_space<hbm>> -> memref<1x1x40x128xf32, #tpu.memory_space<hbm>>
      %dma_wait3A_17 = tpu.memref_squeeze %dma_wait3A_16 : memref<1x1x40x128xf32, #tpu.memory_space<hbm>> -> memref<40x128xf32, #tpu.memory_space<hbm>>
      %dma_wait3A_18 = arith.constant 0 : i32
      %dma_wait3A_19 = arith.constant 0 : i32
      %dma_wait3A_20 = tpu.memref_slice %arg5[%run_scoped3A, %add3A, %dma_wait3A_18, %dma_wait3A_19] : memref<2x32x40x128xf32, #tpu.memory_space<hbm>> -> memref<1x1x40x128xf32, #tpu.memory_space<hbm>>
      %dma_wait3A_21 = tpu.memref_squeeze %dma_wait3A_20 : memref<1x1x40x128xf32, #tpu.memory_space<hbm>> -> memref<40x128xf32, #tpu.memory_space<hbm>>
      tpu.wait_dma2 semaphore(%run_scoped3A_7 : memref<!tpu.dma_semaphore, #tpu.memory_space<semaphore_mem>>) src(%arg8 : memref<40x128xf32, #tpu.memory_space<vmem>>) dst(%dma_wait3A_21 : memref<40x128xf32, #tpu.memory_space<hbm>>)
      tpu.yield
    }) : () -> ()
    %run_scoped3A_6 = arith.constant 1 : i32
    "tpu.region"() ({
      %run_scoped3A_7 = tpu.sem_alloc : memref<!tpu.dma_semaphore, #tpu.memory_space<semaphore_mem>>
      %dma_start3A = arith.constant 0 : i32
      %dma_start3A_8 = arith.constant 0 : i32
      %dma_start3A_9 = tpu.memref_slice %arg5[%run_scoped3A_6, %add3A, %dma_start3A, %dma_start3A_8] : memref<2x32x40x128xf32, #tpu.memory_space<hbm>> -> memref<1x1x40x128xf32, #tpu.memory_space<hbm>>
      %dma_start3A_10 = tpu.memref_squeeze %dma_start3A_9 : memref<1x1x40x128xf32, #tpu.memory_space<hbm>> -> memref<40x128xf32, #tpu.memory_space<hbm>>
      %dma_start3A_11 = arith.constant 0 : i32
      %dma_start3A_12 = arith.constant 0 : i32
      %dma_start3A_13 = tpu.memref_slice %arg5[%run_scoped3A_6, %add3A, %dma_start3A_11, %dma_start3A_12] : memref<2x32x40x128xf32, #tpu.memory_space<hbm>> -> memref<1x1x40x128xf32, #tpu.memory_space<hbm>>
      %dma_start3A_14 = tpu.memref_squeeze %dma_start3A_13 : memref<1x1x40x128xf32, #tpu.memory_space<hbm>> -> memref<40x128xf32, #tpu.memory_space<hbm>>
      tpu.enqueue_dma source(%arg9 : memref<40x128xf32, #tpu.memory_space<vmem>>) target(%dma_start3A_14 : memref<40x128xf32, #tpu.memory_space<hbm>>) target_semaphore(%run_scoped3A_7 : memref<!tpu.dma_semaphore, #tpu.memory_space<semaphore_mem>>)
      %dma_wait3A = arith.constant 0 : i32
      %dma_wait3A_15 = arith.constant 0 : i32
      %dma_wait3A_16 = tpu.memref_slice %arg5[%run_scoped3A_6, %add3A, %dma_wait3A, %dma_wait3A_15] : memref<2x32x40x128xf32, #tpu.memory_space<hbm>> -> memref<1x1x40x128xf32, #tpu.memory_space<hbm>>
      %dma_wait3A_17 = tpu.memref_squeeze %dma_wait3A_16 : memref<1x1x40x128xf32, #tpu.memory_space<hbm>> -> memref<40x128xf32, #tpu.memory_space<hbm>>
      %dma_wait3A_18 = arith.constant 0 : i32
      %dma_wait3A_19 = arith.constant 0 : i32
      %dma_wait3A_20 = tpu.memref_slice %arg5[%run_scoped3A_6, %add3A, %dma_wait3A_18, %dma_wait3A_19] : memref<2x32x40x128xf32, #tpu.memory_space<hbm>> -> memref<1x1x40x128xf32, #tpu.memory_space<hbm>>
      %dma_wait3A_21 = tpu.memref_squeeze %dma_wait3A_20 : memref<1x1x40x128xf32, #tpu.memory_space<hbm>> -> memref<40x128xf32, #tpu.memory_space<hbm>>
      tpu.wait_dma2 semaphore(%run_scoped3A_7 : memref<!tpu.dma_semaphore, #tpu.memory_space<semaphore_mem>>) src(%arg9 : memref<40x128xf32, #tpu.memory_space<vmem>>) dst(%dma_wait3A_21 : memref<40x128xf32, #tpu.memory_space<hbm>>)
      tpu.yield
    }) : () -> ()
    return
  }
}

#map = affine_map<(d0, d1) -> (0, 0)>
#map1 = affine_map<(d0, d1) -> (0, 0, 0)>
module attributes {stable_mosaic.version = 14 : i64} {
  func.func @sc_agg(%arg0: i32, %arg1: i32, %arg2: memref<5120x128xf32, #tpu.memory_space<hbm>>, %arg3: memref<32x125x80xi32, #tpu.memory_space<hbm>>, %arg4: memref<32x125x80xi32, #tpu.memory_space<hbm>>, %arg5: memref<5120x128xf32, #tpu.memory_space<hbm>>, %arg6: memref<10240x128xf32, #tpu.memory_space<hbm>>, %arg7: memref<125x80xi32, #tpu.memory_space<vmem>>, %arg8: memref<125x80xi32, #tpu.memory_space<vmem>>, %arg9: memref<80x128xf32, #tpu.memory_space<vmem>>, %arg10: memref<80x128xf32, #tpu.memory_space<vmem>>, %arg11: memref<80x128xf32, #tpu.memory_space<vmem>>, %arg12: memref<80x128xf32, #tpu.memory_space<vmem>>, %arg13: memref<80x128xf32, #tpu.memory_space<vmem>>, %arg14: memref<5120x128xf32, #tpu.memory_space<vmem_shared>>, %arg15: memref<!tpu.dma_semaphore, #tpu.memory_space<semaphore_mem>>, %arg16: memref<!tpu.dma_semaphore, #tpu.memory_space<semaphore_mem>>, %arg17: memref<!tpu.dma_semaphore, #tpu.memory_space<semaphore_mem>>, %arg18: memref<!tpu.dma_semaphore, #tpu.memory_space<semaphore_mem>>, %arg19: memref<!tpu.dma_semaphore, #tpu.memory_space<semaphore_mem>>) attributes {dimension_semantics = [#tpu.dimension_semantics<core_parallel>, #tpu.dimension_semantics<subcore_parallel>], iteration_bounds = array<i64: 2, 16>, scalar_prefetch = 0 : i64, scratch_operands = 13 : i64, tpu.core_type = #tpu.core_type<sc_vector_subcore>, window_params = [{transform_indices = #map}, {transform_indices = #map1}, {transform_indices = #map1}, {transform_indices = #map}, {transform_indices = #map}]} {
    %mul3A = arith.constant 16 : i32
    %mul3A_0 = arith.muli %arg0, %mul3A : i32
    %add3A = arith.addi %mul3A_0, %arg1 : i32
    "tpu.region"() ({
      %run_scoped3A = tpu.sem_alloc : memref<!tpu.dma_semaphore, #tpu.memory_space<semaphore_mem>>
      %dma_start3A_51 = arith.constant 0 : i32
      %dma_start3A_52 = arith.constant 0 : i32
      %dma_start3A_53 = tpu.memref_slice %arg3[%add3A, %dma_start3A_51, %dma_start3A_52] : memref<32x125x80xi32, #tpu.memory_space<hbm>> -> memref<1x125x80xi32, #tpu.memory_space<hbm>>
      %dma_start3A_54 = tpu.memref_squeeze %dma_start3A_53 : memref<1x125x80xi32, #tpu.memory_space<hbm>> -> memref<125x80xi32, #tpu.memory_space<hbm>>
      %dma_start3A_55 = arith.constant 0 : i32
      %dma_start3A_56 = arith.constant 0 : i32
      %dma_start3A_57 = tpu.memref_slice %arg3[%add3A, %dma_start3A_55, %dma_start3A_56] : memref<32x125x80xi32, #tpu.memory_space<hbm>> -> memref<1x125x80xi32, #tpu.memory_space<hbm>>
      %dma_start3A_58 = tpu.memref_squeeze %dma_start3A_57 : memref<1x125x80xi32, #tpu.memory_space<hbm>> -> memref<125x80xi32, #tpu.memory_space<hbm>>
      tpu.enqueue_dma source(%dma_start3A_58 : memref<125x80xi32, #tpu.memory_space<hbm>>) target(%arg7 : memref<125x80xi32, #tpu.memory_space<vmem>>) target_semaphore(%run_scoped3A : memref<!tpu.dma_semaphore, #tpu.memory_space<semaphore_mem>>)
      %dma_wait3A = arith.constant 0 : i32
      %dma_wait3A_59 = arith.constant 0 : i32
      %dma_wait3A_60 = tpu.memref_slice %arg3[%add3A, %dma_wait3A, %dma_wait3A_59] : memref<32x125x80xi32, #tpu.memory_space<hbm>> -> memref<1x125x80xi32, #tpu.memory_space<hbm>>
      %dma_wait3A_61 = tpu.memref_squeeze %dma_wait3A_60 : memref<1x125x80xi32, #tpu.memory_space<hbm>> -> memref<125x80xi32, #tpu.memory_space<hbm>>
      %dma_wait3A_62 = arith.constant 0 : i32
      %dma_wait3A_63 = arith.constant 0 : i32
      %dma_wait3A_64 = tpu.memref_slice %arg3[%add3A, %dma_wait3A_62, %dma_wait3A_63] : memref<32x125x80xi32, #tpu.memory_space<hbm>> -> memref<1x125x80xi32, #tpu.memory_space<hbm>>
      %dma_wait3A_65 = tpu.memref_squeeze %dma_wait3A_64 : memref<1x125x80xi32, #tpu.memory_space<hbm>> -> memref<125x80xi32, #tpu.memory_space<hbm>>
      tpu.wait_dma2 semaphore(%run_scoped3A : memref<!tpu.dma_semaphore, #tpu.memory_space<semaphore_mem>>) src(%dma_wait3A_65 : memref<125x80xi32, #tpu.memory_space<hbm>>) dst(%arg7 : memref<125x80xi32, #tpu.memory_space<vmem>>)
      tpu.yield
    }) : () -> ()
    "tpu.region"() ({
      %run_scoped3A = tpu.sem_alloc : memref<!tpu.dma_semaphore, #tpu.memory_space<semaphore_mem>>
      %dma_start3A_51 = arith.constant 0 : i32
      %dma_start3A_52 = arith.constant 0 : i32
      %dma_start3A_53 = tpu.memref_slice %arg4[%add3A, %dma_start3A_51, %dma_start3A_52] : memref<32x125x80xi32, #tpu.memory_space<hbm>> -> memref<1x125x80xi32, #tpu.memory_space<hbm>>
      %dma_start3A_54 = tpu.memref_squeeze %dma_start3A_53 : memref<1x125x80xi32, #tpu.memory_space<hbm>> -> memref<125x80xi32, #tpu.memory_space<hbm>>
      %dma_start3A_55 = arith.constant 0 : i32
      %dma_start3A_56 = arith.constant 0 : i32
      %dma_start3A_57 = tpu.memref_slice %arg4[%add3A, %dma_start3A_55, %dma_start3A_56] : memref<32x125x80xi32, #tpu.memory_space<hbm>> -> memref<1x125x80xi32, #tpu.memory_space<hbm>>
      %dma_start3A_58 = tpu.memref_squeeze %dma_start3A_57 : memref<1x125x80xi32, #tpu.memory_space<hbm>> -> memref<125x80xi32, #tpu.memory_space<hbm>>
      tpu.enqueue_dma source(%dma_start3A_58 : memref<125x80xi32, #tpu.memory_space<hbm>>) target(%arg8 : memref<125x80xi32, #tpu.memory_space<vmem>>) target_semaphore(%run_scoped3A : memref<!tpu.dma_semaphore, #tpu.memory_space<semaphore_mem>>)
      %dma_wait3A = arith.constant 0 : i32
      %dma_wait3A_59 = arith.constant 0 : i32
      %dma_wait3A_60 = tpu.memref_slice %arg4[%add3A, %dma_wait3A, %dma_wait3A_59] : memref<32x125x80xi32, #tpu.memory_space<hbm>> -> memref<1x125x80xi32, #tpu.memory_space<hbm>>
      %dma_wait3A_61 = tpu.memref_squeeze %dma_wait3A_60 : memref<1x125x80xi32, #tpu.memory_space<hbm>> -> memref<125x80xi32, #tpu.memory_space<hbm>>
      %dma_wait3A_62 = arith.constant 0 : i32
      %dma_wait3A_63 = arith.constant 0 : i32
      %dma_wait3A_64 = tpu.memref_slice %arg4[%add3A, %dma_wait3A_62, %dma_wait3A_63] : memref<32x125x80xi32, #tpu.memory_space<hbm>> -> memref<1x125x80xi32, #tpu.memory_space<hbm>>
      %dma_wait3A_65 = tpu.memref_squeeze %dma_wait3A_64 : memref<1x125x80xi32, #tpu.memory_space<hbm>> -> memref<125x80xi32, #tpu.memory_space<hbm>>
      tpu.wait_dma2 semaphore(%run_scoped3A : memref<!tpu.dma_semaphore, #tpu.memory_space<semaphore_mem>>) src(%dma_wait3A_65 : memref<125x80xi32, #tpu.memory_space<hbm>>) dst(%arg8 : memref<125x80xi32, #tpu.memory_space<vmem>>)
      tpu.yield
    }) : () -> ()
    %mul3A_1 = arith.constant 320 : i32
    %mul3A_2 = arith.muli %arg1, %mul3A_1 : i32
    %mul3A_3 = arith.constant 320 : i32
    %mul3A_4 = arith.muli %arg1, %mul3A_3 : i32
    "tpu.region"() ({
      %run_scoped3A = tpu.sem_alloc : memref<!tpu.dma_semaphore, #tpu.memory_space<semaphore_mem>>
      %dma_start3A_51 = arith.constant 0 : i32
      %dma_start3A_52 = tpu.memref_slice %arg14[%mul3A_4, %dma_start3A_51] : memref<5120x128xf32, #tpu.memory_space<vmem_shared>> -> memref<320x128xf32, #tpu.memory_space<vmem_shared>>
      %dma_start3A_53 = arith.constant 0 : i32
      %dma_start3A_54 = tpu.memref_slice %arg5[%mul3A_2, %dma_start3A_53] : memref<5120x128xf32, #tpu.memory_space<hbm>> -> memref<320x128xf32, #tpu.memory_space<hbm>>
      tpu.enqueue_dma source(%dma_start3A_54 : memref<320x128xf32, #tpu.memory_space<hbm>>) target(%dma_start3A_52 : memref<320x128xf32, #tpu.memory_space<vmem_shared>>) target_semaphore(%run_scoped3A : memref<!tpu.dma_semaphore, #tpu.memory_space<semaphore_mem>>)
      %dma_wait3A = arith.constant 0 : i32
      %dma_wait3A_55 = tpu.memref_slice %arg14[%mul3A_4, %dma_wait3A] : memref<5120x128xf32, #tpu.memory_space<vmem_shared>> -> memref<320x128xf32, #tpu.memory_space<vmem_shared>>
      %dma_wait3A_56 = arith.constant 0 : i32
      %dma_wait3A_57 = tpu.memref_slice %arg5[%mul3A_2, %dma_wait3A_56] : memref<5120x128xf32, #tpu.memory_space<hbm>> -> memref<320x128xf32, #tpu.memory_space<hbm>>
      tpu.wait_dma2 semaphore(%run_scoped3A : memref<!tpu.dma_semaphore, #tpu.memory_space<semaphore_mem>>) src(%dma_wait3A_57 : memref<320x128xf32, #tpu.memory_space<hbm>>) dst(%dma_wait3A_55 : memref<320x128xf32, #tpu.memory_space<vmem_shared>>)
      tpu.yield
    }) : () -> ()
    %barrier3A = arith.constant 0 : index
    tpu.barrier barrier_id(%barrier3A)
    %dma_start3A = arith.constant 0 : i32
    %dma_start3A_5 = arith.constant 0 : i32
    %dma_start3A_6 = tpu.memref_slice %arg7[%dma_start3A, %dma_start3A_5] : memref<125x80xi32, #tpu.memory_space<vmem>> -> memref<1x80xi32, #tpu.memory_space<vmem>>
    %dma_start3A_7 = tpu.memref_squeeze %dma_start3A_6 : memref<1x80xi32, #tpu.memory_space<vmem>> -> memref<80xi32, #tpu.memory_space<vmem>>
    %dma_start3A_8 = arith.constant 0 : i32
    %dma_start3A_9 = arith.constant 0 : i32
    %dma_start3A_10 = tpu.memref_slice %arg2[%dma_start3A_8, %dma_start3A_9] : memref<5120x128xf32, #tpu.memory_space<hbm>> -> memref<5120x128xf32, #tpu.memory_space<hbm>>
    tpu.enqueue_indirect_dma source(%dma_start3A_10 : memref<5120x128xf32, #tpu.memory_space<hbm>>) target(%arg9 : memref<80x128xf32, #tpu.memory_space<vmem>>) offsets(%dma_start3A_7 : memref<80xi32, #tpu.memory_space<vmem>>) semaphore(%arg15 : memref<!tpu.dma_semaphore, #tpu.memory_space<semaphore_mem>>)
    %dma_start3A_11 = arith.constant 1 : i32
    %dma_start3A_12 = arith.constant 0 : i32
    %dma_start3A_13 = tpu.memref_slice %arg7[%dma_start3A_11, %dma_start3A_12] : memref<125x80xi32, #tpu.memory_space<vmem>> -> memref<1x80xi32, #tpu.memory_space<vmem>>
    %dma_start3A_14 = tpu.memref_squeeze %dma_start3A_13 : memref<1x80xi32, #tpu.memory_space<vmem>> -> memref<80xi32, #tpu.memory_space<vmem>>
    %dma_start3A_15 = arith.constant 0 : i32
    %dma_start3A_16 = arith.constant 0 : i32
    %dma_start3A_17 = tpu.memref_slice %arg2[%dma_start3A_15, %dma_start3A_16] : memref<5120x128xf32, #tpu.memory_space<hbm>> -> memref<5120x128xf32, #tpu.memory_space<hbm>>
    tpu.enqueue_indirect_dma source(%dma_start3A_17 : memref<5120x128xf32, #tpu.memory_space<hbm>>) target(%arg10 : memref<80x128xf32, #tpu.memory_space<vmem>>) offsets(%dma_start3A_14 : memref<80xi32, #tpu.memory_space<vmem>>) semaphore(%arg16 : memref<!tpu.dma_semaphore, #tpu.memory_space<semaphore_mem>>)
    %dma_start3A_18 = arith.constant 2 : i32
    %dma_start3A_19 = arith.constant 0 : i32
    %dma_start3A_20 = tpu.memref_slice %arg7[%dma_start3A_18, %dma_start3A_19] : memref<125x80xi32, #tpu.memory_space<vmem>> -> memref<1x80xi32, #tpu.memory_space<vmem>>
    %dma_start3A_21 = tpu.memref_squeeze %dma_start3A_20 : memref<1x80xi32, #tpu.memory_space<vmem>> -> memref<80xi32, #tpu.memory_space<vmem>>
    %dma_start3A_22 = arith.constant 0 : i32
    %dma_start3A_23 = arith.constant 0 : i32
    %dma_start3A_24 = tpu.memref_slice %arg2[%dma_start3A_22, %dma_start3A_23] : memref<5120x128xf32, #tpu.memory_space<hbm>> -> memref<5120x128xf32, #tpu.memory_space<hbm>>
    tpu.enqueue_indirect_dma source(%dma_start3A_24 : memref<5120x128xf32, #tpu.memory_space<hbm>>) target(%arg11 : memref<80x128xf32, #tpu.memory_space<vmem>>) offsets(%dma_start3A_21 : memref<80xi32, #tpu.memory_space<vmem>>) semaphore(%arg17 : memref<!tpu.dma_semaphore, #tpu.memory_space<semaphore_mem>>)
    %dma_start3A_25 = arith.constant 3 : i32
    %dma_start3A_26 = arith.constant 0 : i32
    %dma_start3A_27 = tpu.memref_slice %arg7[%dma_start3A_25, %dma_start3A_26] : memref<125x80xi32, #tpu.memory_space<vmem>> -> memref<1x80xi32, #tpu.memory_space<vmem>>
    %dma_start3A_28 = tpu.memref_squeeze %dma_start3A_27 : memref<1x80xi32, #tpu.memory_space<vmem>> -> memref<80xi32, #tpu.memory_space<vmem>>
    %dma_start3A_29 = arith.constant 0 : i32
    %dma_start3A_30 = arith.constant 0 : i32
    %dma_start3A_31 = tpu.memref_slice %arg2[%dma_start3A_29, %dma_start3A_30] : memref<5120x128xf32, #tpu.memory_space<hbm>> -> memref<5120x128xf32, #tpu.memory_space<hbm>>
    tpu.enqueue_indirect_dma source(%dma_start3A_31 : memref<5120x128xf32, #tpu.memory_space<hbm>>) target(%arg12 : memref<80x128xf32, #tpu.memory_space<vmem>>) offsets(%dma_start3A_28 : memref<80xi32, #tpu.memory_space<vmem>>) semaphore(%arg18 : memref<!tpu.dma_semaphore, #tpu.memory_space<semaphore_mem>>)
    %dma_start3A_32 = arith.constant 4 : i32
    %dma_start3A_33 = arith.constant 0 : i32
    %dma_start3A_34 = tpu.memref_slice %arg7[%dma_start3A_32, %dma_start3A_33] : memref<125x80xi32, #tpu.memory_space<vmem>> -> memref<1x80xi32, #tpu.memory_space<vmem>>
    %dma_start3A_35 = tpu.memref_squeeze %dma_start3A_34 : memref<1x80xi32, #tpu.memory_space<vmem>> -> memref<80xi32, #tpu.memory_space<vmem>>
    %dma_start3A_36 = arith.constant 0 : i32
    %dma_start3A_37 = arith.constant 0 : i32
    %dma_start3A_38 = tpu.memref_slice %arg2[%dma_start3A_36, %dma_start3A_37] : memref<5120x128xf32, #tpu.memory_space<hbm>> -> memref<5120x128xf32, #tpu.memory_space<hbm>>
    tpu.enqueue_indirect_dma source(%dma_start3A_38 : memref<5120x128xf32, #tpu.memory_space<hbm>>) target(%arg13 : memref<80x128xf32, #tpu.memory_space<vmem>>) offsets(%dma_start3A_35 : memref<80xi32, #tpu.memory_space<vmem>>) semaphore(%arg19 : memref<!tpu.dma_semaphore, #tpu.memory_space<semaphore_mem>>)
    %scan3A = arith.constant 0 : i32
    %scan3A_39 = arith.constant 25 : i32
    %scan3A_40 = arith.addi %scan3A, %scan3A_39 : i32
    %scan3A_41 = arith.constant 1 : i32
    scf.for %scan3A_51 = %scan3A to %scan3A_40 step %scan3A_41  : i32 {
      %mul3A_52 = arith.constant 5 : i32
      %mul3A_53 = arith.muli %scan3A_51, %mul3A_52 : i32
      %add3A_54 = arith.constant 0 : i32
      %add3A_55 = arith.addi %add3A_54, %mul3A_53 : i32
      %add3A_56 = arith.constant 0 : i32
      %add3A_57 = arith.addi %add3A_55, %add3A_56 : i32
      %lt3A = arith.constant 125 : i32
      %lt3A_58 = arith.cmpi slt, %add3A_57, %lt3A : i32
      %convert_element_type3A = arith.extui %lt3A_58 : i1 to i32
      %cond3A = arith.constant 0 : i32
      %cond3A_59 = arith.cmpi ne, %convert_element_type3A, %cond3A : i32
      scf.if %cond3A_59 {
        %dma_wait3A = arith.constant 0 : i32
        %dma_wait3A_88 = arith.constant 0 : i32
        %dma_wait3A_89 = tpu.memref_slice %arg2[%dma_wait3A, %dma_wait3A_88] : memref<5120x128xf32, #tpu.memory_space<hbm>> -> memref<80x128xf32, #tpu.memory_space<hbm>>
        %dma_wait3A_90 = arith.constant 0 : i32
        %dma_wait3A_91 = arith.constant 0 : i32
        %dma_wait3A_92 = tpu.memref_slice %arg2[%dma_wait3A_90, %dma_wait3A_91] : memref<5120x128xf32, #tpu.memory_space<hbm>> -> memref<80x128xf32, #tpu.memory_space<hbm>>
        tpu.wait_dma2 semaphore(%arg15 : memref<!tpu.dma_semaphore, #tpu.memory_space<semaphore_mem>>) src(%dma_wait3A_92 : memref<80x128xf32, #tpu.memory_space<hbm>>) dst(%arg9 : memref<80x128xf32, #tpu.memory_space<vmem>>)
        "tpu.region"() ({
          %run_scoped3A = tpu.sem_alloc : memref<!tpu.dma_semaphore, #tpu.memory_space<semaphore_mem>>
          %dma_start3A_100 = arith.constant 0 : i32
          %dma_start3A_101 = tpu.memref_slice %arg8[%add3A_57, %dma_start3A_100] : memref<125x80xi32, #tpu.memory_space<vmem>> -> memref<1x80xi32, #tpu.memory_space<vmem>>
          %dma_start3A_102 = tpu.memref_squeeze %dma_start3A_101 : memref<1x80xi32, #tpu.memory_space<vmem>> -> memref<80xi32, #tpu.memory_space<vmem>>
          %dma_start3A_103 = arith.constant 0 : i32
          %dma_start3A_104 = arith.constant 0 : i32
          %dma_start3A_105 = tpu.memref_slice %arg14[%dma_start3A_103, %dma_start3A_104] : memref<5120x128xf32, #tpu.memory_space<vmem_shared>> -> memref<5120x128xf32, #tpu.memory_space<vmem_shared>>
          tpu.enqueue_indirect_dma source(%arg9 : memref<80x128xf32, #tpu.memory_space<vmem>>) target(%dma_start3A_105 : memref<5120x128xf32, #tpu.memory_space<vmem_shared>>) offsets(%dma_start3A_102 : memref<80xi32, #tpu.memory_space<vmem>>) semaphore(%run_scoped3A : memref<!tpu.dma_semaphore, #tpu.memory_space<semaphore_mem>>) {add = true}
          %dma_wait3A_106 = arith.constant 0 : i32
          %dma_wait3A_107 = tpu.memref_slice %arg8[%add3A_57, %dma_wait3A_106] : memref<125x80xi32, #tpu.memory_space<vmem>> -> memref<1x80xi32, #tpu.memory_space<vmem>>
          %dma_wait3A_108 = tpu.memref_squeeze %dma_wait3A_107 : memref<1x80xi32, #tpu.memory_space<vmem>> -> memref<80xi32, #tpu.memory_space<vmem>>
          %dma_wait3A_109 = arith.constant 0 : i32
          %dma_wait3A_110 = arith.constant 0 : i32
          %dma_wait3A_111 = tpu.memref_slice %arg14[%dma_wait3A_109, %dma_wait3A_110] : memref<5120x128xf32, #tpu.memory_space<vmem_shared>> -> memref<5120x128xf32, #tpu.memory_space<vmem_shared>>
          tpu.wait_indirect_dma semaphore(%run_scoped3A : memref<!tpu.dma_semaphore, #tpu.memory_space<semaphore_mem>>) src(%arg9 : memref<80x128xf32, #tpu.memory_space<vmem>>) dst(%dma_wait3A_111 : memref<5120x128xf32, #tpu.memory_space<vmem_shared>>)
          tpu.yield
        }) : () -> ()
        %add3A_93 = arith.constant 5 : i32
        %add3A_94 = arith.addi %add3A_57, %add3A_93 : i32
        %lt3A_95 = arith.constant 125 : i32
        %lt3A_96 = arith.cmpi slt, %add3A_94, %lt3A_95 : i32
        %convert_element_type3A_97 = arith.extui %lt3A_96 : i1 to i32
        %cond3A_98 = arith.constant 0 : i32
        %cond3A_99 = arith.cmpi ne, %convert_element_type3A_97, %cond3A_98 : i32
        scf.if %cond3A_99 {
          %add3A_100 = arith.constant 5 : i32
          %add3A_101 = arith.addi %add3A_57, %add3A_100 : i32
          %dma_start3A_102 = arith.constant 0 : i32
          %dma_start3A_103 = tpu.memref_slice %arg7[%add3A_101, %dma_start3A_102] : memref<125x80xi32, #tpu.memory_space<vmem>> -> memref<1x80xi32, #tpu.memory_space<vmem>>
          %dma_start3A_104 = tpu.memref_squeeze %dma_start3A_103 : memref<1x80xi32, #tpu.memory_space<vmem>> -> memref<80xi32, #tpu.memory_space<vmem>>
          %dma_start3A_105 = arith.constant 0 : i32
          %dma_start3A_106 = arith.constant 0 : i32
          %dma_start3A_107 = tpu.memref_slice %arg2[%dma_start3A_105, %dma_start3A_106] : memref<5120x128xf32, #tpu.memory_space<hbm>> -> memref<5120x128xf32, #tpu.memory_space<hbm>>
          tpu.enqueue_indirect_dma source(%dma_start3A_107 : memref<5120x128xf32, #tpu.memory_space<hbm>>) target(%arg9 : memref<80x128xf32, #tpu.memory_space<vmem>>) offsets(%dma_start3A_104 : memref<80xi32, #tpu.memory_space<vmem>>) semaphore(%arg15 : memref<!tpu.dma_semaphore, #tpu.memory_space<semaphore_mem>>)
        } else {
        }
      } else {
      }
      %add3A_60 = arith.constant 1 : i32
      %add3A_61 = arith.addi %add3A_55, %add3A_60 : i32
      %lt3A_62 = arith.constant 125 : i32
      %lt3A_63 = arith.cmpi slt, %add3A_61, %lt3A_62 : i32
      %convert_element_type3A_64 = arith.extui %lt3A_63 : i1 to i32
      %cond3A_65 = arith.constant 0 : i32
      %cond3A_66 = arith.cmpi ne, %convert_element_type3A_64, %cond3A_65 : i32
      scf.if %cond3A_66 {
        %dma_wait3A = arith.constant 0 : i32
        %dma_wait3A_88 = arith.constant 0 : i32
        %dma_wait3A_89 = tpu.memref_slice %arg2[%dma_wait3A, %dma_wait3A_88] : memref<5120x128xf32, #tpu.memory_space<hbm>> -> memref<80x128xf32, #tpu.memory_space<hbm>>
        %dma_wait3A_90 = arith.constant 0 : i32
        %dma_wait3A_91 = arith.constant 0 : i32
        %dma_wait3A_92 = tpu.memref_slice %arg2[%dma_wait3A_90, %dma_wait3A_91] : memref<5120x128xf32, #tpu.memory_space<hbm>> -> memref<80x128xf32, #tpu.memory_space<hbm>>
        tpu.wait_dma2 semaphore(%arg16 : memref<!tpu.dma_semaphore, #tpu.memory_space<semaphore_mem>>) src(%dma_wait3A_92 : memref<80x128xf32, #tpu.memory_space<hbm>>) dst(%arg10 : memref<80x128xf32, #tpu.memory_space<vmem>>)
        "tpu.region"() ({
          %run_scoped3A = tpu.sem_alloc : memref<!tpu.dma_semaphore, #tpu.memory_space<semaphore_mem>>
          %dma_start3A_100 = arith.constant 0 : i32
          %dma_start3A_101 = tpu.memref_slice %arg8[%add3A_61, %dma_start3A_100] : memref<125x80xi32, #tpu.memory_space<vmem>> -> memref<1x80xi32, #tpu.memory_space<vmem>>
          %dma_start3A_102 = tpu.memref_squeeze %dma_start3A_101 : memref<1x80xi32, #tpu.memory_space<vmem>> -> memref<80xi32, #tpu.memory_space<vmem>>
          %dma_start3A_103 = arith.constant 0 : i32
          %dma_start3A_104 = arith.constant 0 : i32
          %dma_start3A_105 = tpu.memref_slice %arg14[%dma_start3A_103, %dma_start3A_104] : memref<5120x128xf32, #tpu.memory_space<vmem_shared>> -> memref<5120x128xf32, #tpu.memory_space<vmem_shared>>
          tpu.enqueue_indirect_dma source(%arg10 : memref<80x128xf32, #tpu.memory_space<vmem>>) target(%dma_start3A_105 : memref<5120x128xf32, #tpu.memory_space<vmem_shared>>) offsets(%dma_start3A_102 : memref<80xi32, #tpu.memory_space<vmem>>) semaphore(%run_scoped3A : memref<!tpu.dma_semaphore, #tpu.memory_space<semaphore_mem>>) {add = true}
          %dma_wait3A_106 = arith.constant 0 : i32
          %dma_wait3A_107 = tpu.memref_slice %arg8[%add3A_61, %dma_wait3A_106] : memref<125x80xi32, #tpu.memory_space<vmem>> -> memref<1x80xi32, #tpu.memory_space<vmem>>
          %dma_wait3A_108 = tpu.memref_squeeze %dma_wait3A_107 : memref<1x80xi32, #tpu.memory_space<vmem>> -> memref<80xi32, #tpu.memory_space<vmem>>
          %dma_wait3A_109 = arith.constant 0 : i32
          %dma_wait3A_110 = arith.constant 0 : i32
          %dma_wait3A_111 = tpu.memref_slice %arg14[%dma_wait3A_109, %dma_wait3A_110] : memref<5120x128xf32, #tpu.memory_space<vmem_shared>> -> memref<5120x128xf32, #tpu.memory_space<vmem_shared>>
          tpu.wait_indirect_dma semaphore(%run_scoped3A : memref<!tpu.dma_semaphore, #tpu.memory_space<semaphore_mem>>) src(%arg10 : memref<80x128xf32, #tpu.memory_space<vmem>>) dst(%dma_wait3A_111 : memref<5120x128xf32, #tpu.memory_space<vmem_shared>>)
          tpu.yield
        }) : () -> ()
        %add3A_93 = arith.constant 5 : i32
        %add3A_94 = arith.addi %add3A_61, %add3A_93 : i32
        %lt3A_95 = arith.constant 125 : i32
        %lt3A_96 = arith.cmpi slt, %add3A_94, %lt3A_95 : i32
        %convert_element_type3A_97 = arith.extui %lt3A_96 : i1 to i32
        %cond3A_98 = arith.constant 0 : i32
        %cond3A_99 = arith.cmpi ne, %convert_element_type3A_97, %cond3A_98 : i32
        scf.if %cond3A_99 {
          %add3A_100 = arith.constant 5 : i32
          %add3A_101 = arith.addi %add3A_61, %add3A_100 : i32
          %dma_start3A_102 = arith.constant 0 : i32
          %dma_start3A_103 = tpu.memref_slice %arg7[%add3A_101, %dma_start3A_102] : memref<125x80xi32, #tpu.memory_space<vmem>> -> memref<1x80xi32, #tpu.memory_space<vmem>>
          %dma_start3A_104 = tpu.memref_squeeze %dma_start3A_103 : memref<1x80xi32, #tpu.memory_space<vmem>> -> memref<80xi32, #tpu.memory_space<vmem>>
          %dma_start3A_105 = arith.constant 0 : i32
          %dma_start3A_106 = arith.constant 0 : i32
          %dma_start3A_107 = tpu.memref_slice %arg2[%dma_start3A_105, %dma_start3A_106] : memref<5120x128xf32, #tpu.memory_space<hbm>> -> memref<5120x128xf32, #tpu.memory_space<hbm>>
          tpu.enqueue_indirect_dma source(%dma_start3A_107 : memref<5120x128xf32, #tpu.memory_space<hbm>>) target(%arg10 : memref<80x128xf32, #tpu.memory_space<vmem>>) offsets(%dma_start3A_104 : memref<80xi32, #tpu.memory_space<vmem>>) semaphore(%arg16 : memref<!tpu.dma_semaphore, #tpu.memory_space<semaphore_mem>>)
        } else {
        }
      } else {
      }
      %add3A_67 = arith.constant 2 : i32
      %add3A_68 = arith.addi %add3A_55, %add3A_67 : i32
      %lt3A_69 = arith.constant 125 : i32
      %lt3A_70 = arith.cmpi slt, %add3A_68, %lt3A_69 : i32
      %convert_element_type3A_71 = arith.extui %lt3A_70 : i1 to i32
      %cond3A_72 = arith.constant 0 : i32
      %cond3A_73 = arith.cmpi ne, %convert_element_type3A_71, %cond3A_72 : i32
      scf.if %cond3A_73 {
        %dma_wait3A = arith.constant 0 : i32
        %dma_wait3A_88 = arith.constant 0 : i32
        %dma_wait3A_89 = tpu.memref_slice %arg2[%dma_wait3A, %dma_wait3A_88] : memref<5120x128xf32, #tpu.memory_space<hbm>> -> memref<80x128xf32, #tpu.memory_space<hbm>>
        %dma_wait3A_90 = arith.constant 0 : i32
        %dma_wait3A_91 = arith.constant 0 : i32
        %dma_wait3A_92 = tpu.memref_slice %arg2[%dma_wait3A_90, %dma_wait3A_91] : memref<5120x128xf32, #tpu.memory_space<hbm>> -> memref<80x128xf32, #tpu.memory_space<hbm>>
        tpu.wait_dma2 semaphore(%arg17 : memref<!tpu.dma_semaphore, #tpu.memory_space<semaphore_mem>>) src(%dma_wait3A_92 : memref<80x128xf32, #tpu.memory_space<hbm>>) dst(%arg11 : memref<80x128xf32, #tpu.memory_space<vmem>>)
        "tpu.region"() ({
          %run_scoped3A = tpu.sem_alloc : memref<!tpu.dma_semaphore, #tpu.memory_space<semaphore_mem>>
          %dma_start3A_100 = arith.constant 0 : i32
          %dma_start3A_101 = tpu.memref_slice %arg8[%add3A_68, %dma_start3A_100] : memref<125x80xi32, #tpu.memory_space<vmem>> -> memref<1x80xi32, #tpu.memory_space<vmem>>
          %dma_start3A_102 = tpu.memref_squeeze %dma_start3A_101 : memref<1x80xi32, #tpu.memory_space<vmem>> -> memref<80xi32, #tpu.memory_space<vmem>>
          %dma_start3A_103 = arith.constant 0 : i32
          %dma_start3A_104 = arith.constant 0 : i32
          %dma_start3A_105 = tpu.memref_slice %arg14[%dma_start3A_103, %dma_start3A_104] : memref<5120x128xf32, #tpu.memory_space<vmem_shared>> -> memref<5120x128xf32, #tpu.memory_space<vmem_shared>>
          tpu.enqueue_indirect_dma source(%arg11 : memref<80x128xf32, #tpu.memory_space<vmem>>) target(%dma_start3A_105 : memref<5120x128xf32, #tpu.memory_space<vmem_shared>>) offsets(%dma_start3A_102 : memref<80xi32, #tpu.memory_space<vmem>>) semaphore(%run_scoped3A : memref<!tpu.dma_semaphore, #tpu.memory_space<semaphore_mem>>) {add = true}
          %dma_wait3A_106 = arith.constant 0 : i32
          %dma_wait3A_107 = tpu.memref_slice %arg8[%add3A_68, %dma_wait3A_106] : memref<125x80xi32, #tpu.memory_space<vmem>> -> memref<1x80xi32, #tpu.memory_space<vmem>>
          %dma_wait3A_108 = tpu.memref_squeeze %dma_wait3A_107 : memref<1x80xi32, #tpu.memory_space<vmem>> -> memref<80xi32, #tpu.memory_space<vmem>>
          %dma_wait3A_109 = arith.constant 0 : i32
          %dma_wait3A_110 = arith.constant 0 : i32
          %dma_wait3A_111 = tpu.memref_slice %arg14[%dma_wait3A_109, %dma_wait3A_110] : memref<5120x128xf32, #tpu.memory_space<vmem_shared>> -> memref<5120x128xf32, #tpu.memory_space<vmem_shared>>
          tpu.wait_indirect_dma semaphore(%run_scoped3A : memref<!tpu.dma_semaphore, #tpu.memory_space<semaphore_mem>>) src(%arg11 : memref<80x128xf32, #tpu.memory_space<vmem>>) dst(%dma_wait3A_111 : memref<5120x128xf32, #tpu.memory_space<vmem_shared>>)
          tpu.yield
        }) : () -> ()
        %add3A_93 = arith.constant 5 : i32
        %add3A_94 = arith.addi %add3A_68, %add3A_93 : i32
        %lt3A_95 = arith.constant 125 : i32
        %lt3A_96 = arith.cmpi slt, %add3A_94, %lt3A_95 : i32
        %convert_element_type3A_97 = arith.extui %lt3A_96 : i1 to i32
        %cond3A_98 = arith.constant 0 : i32
        %cond3A_99 = arith.cmpi ne, %convert_element_type3A_97, %cond3A_98 : i32
        scf.if %cond3A_99 {
          %add3A_100 = arith.constant 5 : i32
          %add3A_101 = arith.addi %add3A_68, %add3A_100 : i32
          %dma_start3A_102 = arith.constant 0 : i32
          %dma_start3A_103 = tpu.memref_slice %arg7[%add3A_101, %dma_start3A_102] : memref<125x80xi32, #tpu.memory_space<vmem>> -> memref<1x80xi32, #tpu.memory_space<vmem>>
          %dma_start3A_104 = tpu.memref_squeeze %dma_start3A_103 : memref<1x80xi32, #tpu.memory_space<vmem>> -> memref<80xi32, #tpu.memory_space<vmem>>
          %dma_start3A_105 = arith.constant 0 : i32
          %dma_start3A_106 = arith.constant 0 : i32
          %dma_start3A_107 = tpu.memref_slice %arg2[%dma_start3A_105, %dma_start3A_106] : memref<5120x128xf32, #tpu.memory_space<hbm>> -> memref<5120x128xf32, #tpu.memory_space<hbm>>
          tpu.enqueue_indirect_dma source(%dma_start3A_107 : memref<5120x128xf32, #tpu.memory_space<hbm>>) target(%arg11 : memref<80x128xf32, #tpu.memory_space<vmem>>) offsets(%dma_start3A_104 : memref<80xi32, #tpu.memory_space<vmem>>) semaphore(%arg17 : memref<!tpu.dma_semaphore, #tpu.memory_space<semaphore_mem>>)
        } else {
        }
      } else {
      }
      %add3A_74 = arith.constant 3 : i32
      %add3A_75 = arith.addi %add3A_55, %add3A_74 : i32
      %lt3A_76 = arith.constant 125 : i32
      %lt3A_77 = arith.cmpi slt, %add3A_75, %lt3A_76 : i32
      %convert_element_type3A_78 = arith.extui %lt3A_77 : i1 to i32
      %cond3A_79 = arith.constant 0 : i32
      %cond3A_80 = arith.cmpi ne, %convert_element_type3A_78, %cond3A_79 : i32
      scf.if %cond3A_80 {
        %dma_wait3A = arith.constant 0 : i32
        %dma_wait3A_88 = arith.constant 0 : i32
        %dma_wait3A_89 = tpu.memref_slice %arg2[%dma_wait3A, %dma_wait3A_88] : memref<5120x128xf32, #tpu.memory_space<hbm>> -> memref<80x128xf32, #tpu.memory_space<hbm>>
        %dma_wait3A_90 = arith.constant 0 : i32
        %dma_wait3A_91 = arith.constant 0 : i32
        %dma_wait3A_92 = tpu.memref_slice %arg2[%dma_wait3A_90, %dma_wait3A_91] : memref<5120x128xf32, #tpu.memory_space<hbm>> -> memref<80x128xf32, #tpu.memory_space<hbm>>
        tpu.wait_dma2 semaphore(%arg18 : memref<!tpu.dma_semaphore, #tpu.memory_space<semaphore_mem>>) src(%dma_wait3A_92 : memref<80x128xf32, #tpu.memory_space<hbm>>) dst(%arg12 : memref<80x128xf32, #tpu.memory_space<vmem>>)
        "tpu.region"() ({
          %run_scoped3A = tpu.sem_alloc : memref<!tpu.dma_semaphore, #tpu.memory_space<semaphore_mem>>
          %dma_start3A_100 = arith.constant 0 : i32
          %dma_start3A_101 = tpu.memref_slice %arg8[%add3A_75, %dma_start3A_100] : memref<125x80xi32, #tpu.memory_space<vmem>> -> memref<1x80xi32, #tpu.memory_space<vmem>>
          %dma_start3A_102 = tpu.memref_squeeze %dma_start3A_101 : memref<1x80xi32, #tpu.memory_space<vmem>> -> memref<80xi32, #tpu.memory_space<vmem>>
          %dma_start3A_103 = arith.constant 0 : i32
          %dma_start3A_104 = arith.constant 0 : i32
          %dma_start3A_105 = tpu.memref_slice %arg14[%dma_start3A_103, %dma_start3A_104] : memref<5120x128xf32, #tpu.memory_space<vmem_shared>> -> memref<5120x128xf32, #tpu.memory_space<vmem_shared>>
          tpu.enqueue_indirect_dma source(%arg12 : memref<80x128xf32, #tpu.memory_space<vmem>>) target(%dma_start3A_105 : memref<5120x128xf32, #tpu.memory_space<vmem_shared>>) offsets(%dma_start3A_102 : memref<80xi32, #tpu.memory_space<vmem>>) semaphore(%run_scoped3A : memref<!tpu.dma_semaphore, #tpu.memory_space<semaphore_mem>>) {add = true}
          %dma_wait3A_106 = arith.constant 0 : i32
          %dma_wait3A_107 = tpu.memref_slice %arg8[%add3A_75, %dma_wait3A_106] : memref<125x80xi32, #tpu.memory_space<vmem>> -> memref<1x80xi32, #tpu.memory_space<vmem>>
          %dma_wait3A_108 = tpu.memref_squeeze %dma_wait3A_107 : memref<1x80xi32, #tpu.memory_space<vmem>> -> memref<80xi32, #tpu.memory_space<vmem>>
          %dma_wait3A_109 = arith.constant 0 : i32
          %dma_wait3A_110 = arith.constant 0 : i32
          %dma_wait3A_111 = tpu.memref_slice %arg14[%dma_wait3A_109, %dma_wait3A_110] : memref<5120x128xf32, #tpu.memory_space<vmem_shared>> -> memref<5120x128xf32, #tpu.memory_space<vmem_shared>>
          tpu.wait_indirect_dma semaphore(%run_scoped3A : memref<!tpu.dma_semaphore, #tpu.memory_space<semaphore_mem>>) src(%arg12 : memref<80x128xf32, #tpu.memory_space<vmem>>) dst(%dma_wait3A_111 : memref<5120x128xf32, #tpu.memory_space<vmem_shared>>)
          tpu.yield
        }) : () -> ()
        %add3A_93 = arith.constant 5 : i32
        %add3A_94 = arith.addi %add3A_75, %add3A_93 : i32
        %lt3A_95 = arith.constant 125 : i32
        %lt3A_96 = arith.cmpi slt, %add3A_94, %lt3A_95 : i32
        %convert_element_type3A_97 = arith.extui %lt3A_96 : i1 to i32
        %cond3A_98 = arith.constant 0 : i32
        %cond3A_99 = arith.cmpi ne, %convert_element_type3A_97, %cond3A_98 : i32
        scf.if %cond3A_99 {
          %add3A_100 = arith.constant 5 : i32
          %add3A_101 = arith.addi %add3A_75, %add3A_100 : i32
          %dma_start3A_102 = arith.constant 0 : i32
          %dma_start3A_103 = tpu.memref_slice %arg7[%add3A_101, %dma_start3A_102] : memref<125x80xi32, #tpu.memory_space<vmem>> -> memref<1x80xi32, #tpu.memory_space<vmem>>
          %dma_start3A_104 = tpu.memref_squeeze %dma_start3A_103 : memref<1x80xi32, #tpu.memory_space<vmem>> -> memref<80xi32, #tpu.memory_space<vmem>>
          %dma_start3A_105 = arith.constant 0 : i32
          %dma_start3A_106 = arith.constant 0 : i32
          %dma_start3A_107 = tpu.memref_slice %arg2[%dma_start3A_105, %dma_start3A_106] : memref<5120x128xf32, #tpu.memory_space<hbm>> -> memref<5120x128xf32, #tpu.memory_space<hbm>>
          tpu.enqueue_indirect_dma source(%dma_start3A_107 : memref<5120x128xf32, #tpu.memory_space<hbm>>) target(%arg12 : memref<80x128xf32, #tpu.memory_space<vmem>>) offsets(%dma_start3A_104 : memref<80xi32, #tpu.memory_space<vmem>>) semaphore(%arg18 : memref<!tpu.dma_semaphore, #tpu.memory_space<semaphore_mem>>)
        } else {
        }
      } else {
      }
      %add3A_81 = arith.constant 4 : i32
      %add3A_82 = arith.addi %add3A_55, %add3A_81 : i32
      %lt3A_83 = arith.constant 125 : i32
      %lt3A_84 = arith.cmpi slt, %add3A_82, %lt3A_83 : i32
      %convert_element_type3A_85 = arith.extui %lt3A_84 : i1 to i32
      %cond3A_86 = arith.constant 0 : i32
      %cond3A_87 = arith.cmpi ne, %convert_element_type3A_85, %cond3A_86 : i32
      scf.if %cond3A_87 {
        %dma_wait3A = arith.constant 0 : i32
        %dma_wait3A_88 = arith.constant 0 : i32
        %dma_wait3A_89 = tpu.memref_slice %arg2[%dma_wait3A, %dma_wait3A_88] : memref<5120x128xf32, #tpu.memory_space<hbm>> -> memref<80x128xf32, #tpu.memory_space<hbm>>
        %dma_wait3A_90 = arith.constant 0 : i32
        %dma_wait3A_91 = arith.constant 0 : i32
        %dma_wait3A_92 = tpu.memref_slice %arg2[%dma_wait3A_90, %dma_wait3A_91] : memref<5120x128xf32, #tpu.memory_space<hbm>> -> memref<80x128xf32, #tpu.memory_space<hbm>>
        tpu.wait_dma2 semaphore(%arg19 : memref<!tpu.dma_semaphore, #tpu.memory_space<semaphore_mem>>) src(%dma_wait3A_92 : memref<80x128xf32, #tpu.memory_space<hbm>>) dst(%arg13 : memref<80x128xf32, #tpu.memory_space<vmem>>)
        "tpu.region"() ({
          %run_scoped3A = tpu.sem_alloc : memref<!tpu.dma_semaphore, #tpu.memory_space<semaphore_mem>>
          %dma_start3A_100 = arith.constant 0 : i32
          %dma_start3A_101 = tpu.memref_slice %arg8[%add3A_82, %dma_start3A_100] : memref<125x80xi32, #tpu.memory_space<vmem>> -> memref<1x80xi32, #tpu.memory_space<vmem>>
          %dma_start3A_102 = tpu.memref_squeeze %dma_start3A_101 : memref<1x80xi32, #tpu.memory_space<vmem>> -> memref<80xi32, #tpu.memory_space<vmem>>
          %dma_start3A_103 = arith.constant 0 : i32
          %dma_start3A_104 = arith.constant 0 : i32
          %dma_start3A_105 = tpu.memref_slice %arg14[%dma_start3A_103, %dma_start3A_104] : memref<5120x128xf32, #tpu.memory_space<vmem_shared>> -> memref<5120x128xf32, #tpu.memory_space<vmem_shared>>
          tpu.enqueue_indirect_dma source(%arg13 : memref<80x128xf32, #tpu.memory_space<vmem>>) target(%dma_start3A_105 : memref<5120x128xf32, #tpu.memory_space<vmem_shared>>) offsets(%dma_start3A_102 : memref<80xi32, #tpu.memory_space<vmem>>) semaphore(%run_scoped3A : memref<!tpu.dma_semaphore, #tpu.memory_space<semaphore_mem>>) {add = true}
          %dma_wait3A_106 = arith.constant 0 : i32
          %dma_wait3A_107 = tpu.memref_slice %arg8[%add3A_82, %dma_wait3A_106] : memref<125x80xi32, #tpu.memory_space<vmem>> -> memref<1x80xi32, #tpu.memory_space<vmem>>
          %dma_wait3A_108 = tpu.memref_squeeze %dma_wait3A_107 : memref<1x80xi32, #tpu.memory_space<vmem>> -> memref<80xi32, #tpu.memory_space<vmem>>
          %dma_wait3A_109 = arith.constant 0 : i32
          %dma_wait3A_110 = arith.constant 0 : i32
          %dma_wait3A_111 = tpu.memref_slice %arg14[%dma_wait3A_109, %dma_wait3A_110] : memref<5120x128xf32, #tpu.memory_space<vmem_shared>> -> memref<5120x128xf32, #tpu.memory_space<vmem_shared>>
          tpu.wait_indirect_dma semaphore(%run_scoped3A : memref<!tpu.dma_semaphore, #tpu.memory_space<semaphore_mem>>) src(%arg13 : memref<80x128xf32, #tpu.memory_space<vmem>>) dst(%dma_wait3A_111 : memref<5120x128xf32, #tpu.memory_space<vmem_shared>>)
          tpu.yield
        }) : () -> ()
        %add3A_93 = arith.constant 5 : i32
        %add3A_94 = arith.addi %add3A_82, %add3A_93 : i32
        %lt3A_95 = arith.constant 125 : i32
        %lt3A_96 = arith.cmpi slt, %add3A_94, %lt3A_95 : i32
        %convert_element_type3A_97 = arith.extui %lt3A_96 : i1 to i32
        %cond3A_98 = arith.constant 0 : i32
        %cond3A_99 = arith.cmpi ne, %convert_element_type3A_97, %cond3A_98 : i32
        scf.if %cond3A_99 {
          %add3A_100 = arith.constant 5 : i32
          %add3A_101 = arith.addi %add3A_82, %add3A_100 : i32
          %dma_start3A_102 = arith.constant 0 : i32
          %dma_start3A_103 = tpu.memref_slice %arg7[%add3A_101, %dma_start3A_102] : memref<125x80xi32, #tpu.memory_space<vmem>> -> memref<1x80xi32, #tpu.memory_space<vmem>>
          %dma_start3A_104 = tpu.memref_squeeze %dma_start3A_103 : memref<1x80xi32, #tpu.memory_space<vmem>> -> memref<80xi32, #tpu.memory_space<vmem>>
          %dma_start3A_105 = arith.constant 0 : i32
          %dma_start3A_106 = arith.constant 0 : i32
          %dma_start3A_107 = tpu.memref_slice %arg2[%dma_start3A_105, %dma_start3A_106] : memref<5120x128xf32, #tpu.memory_space<hbm>> -> memref<5120x128xf32, #tpu.memory_space<hbm>>
          tpu.enqueue_indirect_dma source(%dma_start3A_107 : memref<5120x128xf32, #tpu.memory_space<hbm>>) target(%arg13 : memref<80x128xf32, #tpu.memory_space<vmem>>) offsets(%dma_start3A_104 : memref<80xi32, #tpu.memory_space<vmem>>) semaphore(%arg19 : memref<!tpu.dma_semaphore, #tpu.memory_space<semaphore_mem>>)
        } else {
        }
      } else {
      }
    }
    %scan3A_42 = arith.constant 25 : i32
    %barrier3A_43 = arith.constant 0 : index
    tpu.barrier barrier_id(%barrier3A_43)
    %mul3A_44 = arith.constant 320 : i32
    %mul3A_45 = arith.muli %arg1, %mul3A_44 : i32
    %mul3A_46 = arith.constant 5120 : i32
    %mul3A_47 = arith.muli %arg0, %mul3A_46 : i32
    %mul3A_48 = arith.constant 320 : i32
    %mul3A_49 = arith.muli %arg1, %mul3A_48 : i32
    %add3A_50 = arith.addi %mul3A_47, %mul3A_49 : i32
    "tpu.region"() ({
      %run_scoped3A = tpu.sem_alloc : memref<!tpu.dma_semaphore, #tpu.memory_space<semaphore_mem>>
      %dma_start3A_51 = arith.constant 0 : i32
      %dma_start3A_52 = tpu.memref_slice %arg6[%add3A_50, %dma_start3A_51] : memref<10240x128xf32, #tpu.memory_space<hbm>> -> memref<320x128xf32, #tpu.memory_space<hbm>>
      %dma_start3A_53 = arith.constant 0 : i32
      %dma_start3A_54 = tpu.memref_slice %arg14[%mul3A_45, %dma_start3A_53] : memref<5120x128xf32, #tpu.memory_space<vmem_shared>> -> memref<320x128xf32, #tpu.memory_space<vmem_shared>>
      tpu.enqueue_dma source(%dma_start3A_54 : memref<320x128xf32, #tpu.memory_space<vmem_shared>>) target(%dma_start3A_52 : memref<320x128xf32, #tpu.memory_space<hbm>>) target_semaphore(%run_scoped3A : memref<!tpu.dma_semaphore, #tpu.memory_space<semaphore_mem>>)
      %dma_wait3A = arith.constant 0 : i32
      %dma_wait3A_55 = tpu.memref_slice %arg6[%add3A_50, %dma_wait3A] : memref<10240x128xf32, #tpu.memory_space<hbm>> -> memref<320x128xf32, #tpu.memory_space<hbm>>
      %dma_wait3A_56 = arith.constant 0 : i32
      %dma_wait3A_57 = tpu.memref_slice %arg14[%mul3A_45, %dma_wait3A_56] : memref<5120x128xf32, #tpu.memory_space<vmem_shared>> -> memref<320x128xf32, #tpu.memory_space<vmem_shared>>
      tpu.wait_dma2 semaphore(%run_scoped3A : memref<!tpu.dma_semaphore, #tpu.memory_space<semaphore_mem>>) src(%dma_wait3A_57 : memref<320x128xf32, #tpu.memory_space<vmem_shared>>) dst(%dma_wait3A_55 : memref<320x128xf32, #tpu.memory_space<hbm>>)
      tpu.yield
    }) : () -> ()
    return
  }
}

#map = affine_map<(d0, d1) -> (0)>
#map1 = affine_map<(d0, d1) -> (0, 0, 0)>
module attributes {stable_mosaic.version = 14 : i64} {
  func.func @sc_gather(%arg0: i32, %arg1: i32, %arg2: memref<5120xf32, #tpu.memory_space<hbm>>, %arg3: memref<32x125x80xi32, #tpu.memory_space<hbm>>, %arg4: memref<32x125x80xf32, #tpu.memory_space<hbm>>, %arg5: memref<125x80xi32, #tpu.memory_space<vmem>>, %arg6: memref<125x80xf32, #tpu.memory_space<vmem>>, %arg7: memref<5120xf32, #tpu.memory_space<vmem_shared>>, %arg8: memref<!tpu.dma_semaphore, #tpu.memory_space<semaphore_mem>>) attributes {dimension_semantics = [#tpu.dimension_semantics<core_parallel>, #tpu.dimension_semantics<subcore_parallel>], iteration_bounds = array<i64: 2, 16>, scalar_prefetch = 0 : i64, scratch_operands = 4 : i64, tpu.core_type = #tpu.core_type<sc_vector_subcore>, window_params = [{transform_indices = #map}, {transform_indices = #map1}, {transform_indices = #map1}]} {
    %mul3A = arith.constant 16 : i32
    %mul3A_0 = arith.muli %arg0, %mul3A : i32
    %add3A = arith.addi %mul3A_0, %arg1 : i32
    "tpu.region"() ({
      %run_scoped3A = tpu.sem_alloc : memref<!tpu.dma_semaphore, #tpu.memory_space<semaphore_mem>>
      %dma_start3A = arith.constant 0 : i32
      %dma_start3A_7 = arith.constant 0 : i32
      %dma_start3A_8 = tpu.memref_slice %arg3[%add3A, %dma_start3A, %dma_start3A_7] : memref<32x125x80xi32, #tpu.memory_space<hbm>> -> memref<1x125x80xi32, #tpu.memory_space<hbm>>
      %dma_start3A_9 = tpu.memref_squeeze %dma_start3A_8 : memref<1x125x80xi32, #tpu.memory_space<hbm>> -> memref<125x80xi32, #tpu.memory_space<hbm>>
      %dma_start3A_10 = arith.constant 0 : i32
      %dma_start3A_11 = arith.constant 0 : i32
      %dma_start3A_12 = tpu.memref_slice %arg3[%add3A, %dma_start3A_10, %dma_start3A_11] : memref<32x125x80xi32, #tpu.memory_space<hbm>> -> memref<1x125x80xi32, #tpu.memory_space<hbm>>
      %dma_start3A_13 = tpu.memref_squeeze %dma_start3A_12 : memref<1x125x80xi32, #tpu.memory_space<hbm>> -> memref<125x80xi32, #tpu.memory_space<hbm>>
      tpu.enqueue_dma source(%dma_start3A_13 : memref<125x80xi32, #tpu.memory_space<hbm>>) target(%arg5 : memref<125x80xi32, #tpu.memory_space<vmem>>) target_semaphore(%run_scoped3A : memref<!tpu.dma_semaphore, #tpu.memory_space<semaphore_mem>>)
      %dma_wait3A = arith.constant 0 : i32
      %dma_wait3A_14 = arith.constant 0 : i32
      %dma_wait3A_15 = tpu.memref_slice %arg3[%add3A, %dma_wait3A, %dma_wait3A_14] : memref<32x125x80xi32, #tpu.memory_space<hbm>> -> memref<1x125x80xi32, #tpu.memory_space<hbm>>
      %dma_wait3A_16 = tpu.memref_squeeze %dma_wait3A_15 : memref<1x125x80xi32, #tpu.memory_space<hbm>> -> memref<125x80xi32, #tpu.memory_space<hbm>>
      %dma_wait3A_17 = arith.constant 0 : i32
      %dma_wait3A_18 = arith.constant 0 : i32
      %dma_wait3A_19 = tpu.memref_slice %arg3[%add3A, %dma_wait3A_17, %dma_wait3A_18] : memref<32x125x80xi32, #tpu.memory_space<hbm>> -> memref<1x125x80xi32, #tpu.memory_space<hbm>>
      %dma_wait3A_20 = tpu.memref_squeeze %dma_wait3A_19 : memref<1x125x80xi32, #tpu.memory_space<hbm>> -> memref<125x80xi32, #tpu.memory_space<hbm>>
      tpu.wait_dma2 semaphore(%run_scoped3A : memref<!tpu.dma_semaphore, #tpu.memory_space<semaphore_mem>>) src(%dma_wait3A_20 : memref<125x80xi32, #tpu.memory_space<hbm>>) dst(%arg5 : memref<125x80xi32, #tpu.memory_space<vmem>>)
      tpu.yield
    }) : () -> ()
    %eq3A = arith.constant 0 : i32
    %eq3A_1 = arith.cmpi eq, %arg1, %eq3A : i32
    %convert_element_type3A = arith.extui %eq3A_1 : i1 to i32
    %cond3A = arith.constant 0 : i32
    %cond3A_2 = arith.cmpi ne, %convert_element_type3A, %cond3A : i32
    scf.if %cond3A_2 {
      "tpu.region"() ({
        %run_scoped3A = tpu.sem_alloc : memref<!tpu.dma_semaphore, #tpu.memory_space<semaphore_mem>>
        tpu.enqueue_dma source(%arg2 : memref<5120xf32, #tpu.memory_space<hbm>>) target(%arg7 : memref<5120xf32, #tpu.memory_space<vmem_shared>>) target_semaphore(%run_scoped3A : memref<!tpu.dma_semaphore, #tpu.memory_space<semaphore_mem>>)
        tpu.wait_dma2 semaphore(%run_scoped3A : memref<!tpu.dma_semaphore, #tpu.memory_space<semaphore_mem>>) src(%arg2 : memref<5120xf32, #tpu.memory_space<hbm>>) dst(%arg7 : memref<5120xf32, #tpu.memory_space<vmem_shared>>)
        tpu.yield
      }) : () -> ()
    } else {
    }
    %barrier3A = arith.constant 0 : index
    tpu.barrier barrier_id(%barrier3A)
    %scan3A = arith.constant 0 : i32
    %scan3A_3 = arith.constant 16 : i32
    %scan3A_4 = arith.addi %scan3A, %scan3A_3 : i32
    %scan3A_5 = arith.constant 1 : i32
    scf.for %scan3A_7 = %scan3A to %scan3A_4 step %scan3A_5  : i32 {
      %mul3A_8 = arith.constant 8 : i32
      %mul3A_9 = arith.muli %scan3A_7, %mul3A_8 : i32
      %add3A_10 = arith.constant 0 : i32
      %add3A_11 = arith.addi %add3A_10, %mul3A_9 : i32
      %add3A_12 = arith.constant 0 : i32
      %add3A_13 = arith.addi %add3A_11, %add3A_12 : i32
      %lt3A = arith.constant 125 : i32
      %lt3A_14 = arith.cmpi slt, %add3A_13, %lt3A : i32
      %convert_element_type3A_15 = arith.extui %lt3A_14 : i1 to i32
      %cond3A_16 = arith.constant 0 : i32
      %cond3A_17 = arith.cmpi ne, %convert_element_type3A_15, %cond3A_16 : i32
      scf.if %cond3A_17 {
        %dma_start3A = arith.constant 0 : i32
        %dma_start3A_123 = tpu.memref_slice %arg6[%add3A_13, %dma_start3A] : memref<125x80xf32, #tpu.memory_space<vmem>> -> memref<1x80xf32, #tpu.memory_space<vmem>>
        %dma_start3A_124 = tpu.memref_squeeze %dma_start3A_123 : memref<1x80xf32, #tpu.memory_space<vmem>> -> memref<80xf32, #tpu.memory_space<vmem>>
        %dma_start3A_125 = arith.constant 0 : i32
        %dma_start3A_126 = tpu.memref_slice %arg5[%add3A_13, %dma_start3A_125] : memref<125x80xi32, #tpu.memory_space<vmem>> -> memref<1x80xi32, #tpu.memory_space<vmem>>
        %dma_start3A_127 = tpu.memref_squeeze %dma_start3A_126 : memref<1x80xi32, #tpu.memory_space<vmem>> -> memref<80xi32, #tpu.memory_space<vmem>>
        %dma_start3A_128 = arith.constant 0 : i32
        %dma_start3A_129 = tpu.memref_slice %arg7[%dma_start3A_128] : memref<5120xf32, #tpu.memory_space<vmem_shared>> -> memref<5120xf32, #tpu.memory_space<vmem_shared>>
        tpu.enqueue_indirect_dma source(%dma_start3A_129 : memref<5120xf32, #tpu.memory_space<vmem_shared>>) target(%dma_start3A_124 : memref<80xf32, #tpu.memory_space<vmem>>) offsets(%dma_start3A_127 : memref<80xi32, #tpu.memory_space<vmem>>) semaphore(%arg8 : memref<!tpu.dma_semaphore, #tpu.memory_space<semaphore_mem>>)
      } else {
      }
      %add3A_18 = arith.constant 1 : i32
      %add3A_19 = arith.addi %add3A_11, %add3A_18 : i32
      %lt3A_20 = arith.constant 125 : i32
      %lt3A_21 = arith.cmpi slt, %add3A_19, %lt3A_20 : i32
      %convert_element_type3A_22 = arith.extui %lt3A_21 : i1 to i32
      %cond3A_23 = arith.constant 0 : i32
      %cond3A_24 = arith.cmpi ne, %convert_element_type3A_22, %cond3A_23 : i32
      scf.if %cond3A_24 {
        %dma_start3A = arith.constant 0 : i32
        %dma_start3A_123 = tpu.memref_slice %arg6[%add3A_19, %dma_start3A] : memref<125x80xf32, #tpu.memory_space<vmem>> -> memref<1x80xf32, #tpu.memory_space<vmem>>
        %dma_start3A_124 = tpu.memref_squeeze %dma_start3A_123 : memref<1x80xf32, #tpu.memory_space<vmem>> -> memref<80xf32, #tpu.memory_space<vmem>>
        %dma_start3A_125 = arith.constant 0 : i32
        %dma_start3A_126 = tpu.memref_slice %arg5[%add3A_19, %dma_start3A_125] : memref<125x80xi32, #tpu.memory_space<vmem>> -> memref<1x80xi32, #tpu.memory_space<vmem>>
        %dma_start3A_127 = tpu.memref_squeeze %dma_start3A_126 : memref<1x80xi32, #tpu.memory_space<vmem>> -> memref<80xi32, #tpu.memory_space<vmem>>
        %dma_start3A_128 = arith.constant 0 : i32
        %dma_start3A_129 = tpu.memref_slice %arg7[%dma_start3A_128] : memref<5120xf32, #tpu.memory_space<vmem_shared>> -> memref<5120xf32, #tpu.memory_space<vmem_shared>>
        tpu.enqueue_indirect_dma source(%dma_start3A_129 : memref<5120xf32, #tpu.memory_space<vmem_shared>>) target(%dma_start3A_124 : memref<80xf32, #tpu.memory_space<vmem>>) offsets(%dma_start3A_127 : memref<80xi32, #tpu.memory_space<vmem>>) semaphore(%arg8 : memref<!tpu.dma_semaphore, #tpu.memory_space<semaphore_mem>>)
      } else {
      }
      %add3A_25 = arith.constant 2 : i32
      %add3A_26 = arith.addi %add3A_11, %add3A_25 : i32
      %lt3A_27 = arith.constant 125 : i32
      %lt3A_28 = arith.cmpi slt, %add3A_26, %lt3A_27 : i32
      %convert_element_type3A_29 = arith.extui %lt3A_28 : i1 to i32
      %cond3A_30 = arith.constant 0 : i32
      %cond3A_31 = arith.cmpi ne, %convert_element_type3A_29, %cond3A_30 : i32
      scf.if %cond3A_31 {
        %dma_start3A = arith.constant 0 : i32
        %dma_start3A_123 = tpu.memref_slice %arg6[%add3A_26, %dma_start3A] : memref<125x80xf32, #tpu.memory_space<vmem>> -> memref<1x80xf32, #tpu.memory_space<vmem>>
        %dma_start3A_124 = tpu.memref_squeeze %dma_start3A_123 : memref<1x80xf32, #tpu.memory_space<vmem>> -> memref<80xf32, #tpu.memory_space<vmem>>
        %dma_start3A_125 = arith.constant 0 : i32
        %dma_start3A_126 = tpu.memref_slice %arg5[%add3A_26, %dma_start3A_125] : memref<125x80xi32, #tpu.memory_space<vmem>> -> memref<1x80xi32, #tpu.memory_space<vmem>>
        %dma_start3A_127 = tpu.memref_squeeze %dma_start3A_126 : memref<1x80xi32, #tpu.memory_space<vmem>> -> memref<80xi32, #tpu.memory_space<vmem>>
        %dma_start3A_128 = arith.constant 0 : i32
        %dma_start3A_129 = tpu.memref_slice %arg7[%dma_start3A_128] : memref<5120xf32, #tpu.memory_space<vmem_shared>> -> memref<5120xf32, #tpu.memory_space<vmem_shared>>
        tpu.enqueue_indirect_dma source(%dma_start3A_129 : memref<5120xf32, #tpu.memory_space<vmem_shared>>) target(%dma_start3A_124 : memref<80xf32, #tpu.memory_space<vmem>>) offsets(%dma_start3A_127 : memref<80xi32, #tpu.memory_space<vmem>>) semaphore(%arg8 : memref<!tpu.dma_semaphore, #tpu.memory_space<semaphore_mem>>)
      } else {
      }
      %add3A_32 = arith.constant 3 : i32
      %add3A_33 = arith.addi %add3A_11, %add3A_32 : i32
      %lt3A_34 = arith.constant 125 : i32
      %lt3A_35 = arith.cmpi slt, %add3A_33, %lt3A_34 : i32
      %convert_element_type3A_36 = arith.extui %lt3A_35 : i1 to i32
      %cond3A_37 = arith.constant 0 : i32
      %cond3A_38 = arith.cmpi ne, %convert_element_type3A_36, %cond3A_37 : i32
      scf.if %cond3A_38 {
        %dma_start3A = arith.constant 0 : i32
        %dma_start3A_123 = tpu.memref_slice %arg6[%add3A_33, %dma_start3A] : memref<125x80xf32, #tpu.memory_space<vmem>> -> memref<1x80xf32, #tpu.memory_space<vmem>>
        %dma_start3A_124 = tpu.memref_squeeze %dma_start3A_123 : memref<1x80xf32, #tpu.memory_space<vmem>> -> memref<80xf32, #tpu.memory_space<vmem>>
        %dma_start3A_125 = arith.constant 0 : i32
        %dma_start3A_126 = tpu.memref_slice %arg5[%add3A_33, %dma_start3A_125] : memref<125x80xi32, #tpu.memory_space<vmem>> -> memref<1x80xi32, #tpu.memory_space<vmem>>
        %dma_start3A_127 = tpu.memref_squeeze %dma_start3A_126 : memref<1x80xi32, #tpu.memory_space<vmem>> -> memref<80xi32, #tpu.memory_space<vmem>>
        %dma_start3A_128 = arith.constant 0 : i32
        %dma_start3A_129 = tpu.memref_slice %arg7[%dma_start3A_128] : memref<5120xf32, #tpu.memory_space<vmem_shared>> -> memref<5120xf32, #tpu.memory_space<vmem_shared>>
        tpu.enqueue_indirect_dma source(%dma_start3A_129 : memref<5120xf32, #tpu.memory_space<vmem_shared>>) target(%dma_start3A_124 : memref<80xf32, #tpu.memory_space<vmem>>) offsets(%dma_start3A_127 : memref<80xi32, #tpu.memory_space<vmem>>) semaphore(%arg8 : memref<!tpu.dma_semaphore, #tpu.memory_space<semaphore_mem>>)
      } else {
      }
      %add3A_39 = arith.constant 4 : i32
      %add3A_40 = arith.addi %add3A_11, %add3A_39 : i32
      %lt3A_41 = arith.constant 125 : i32
      %lt3A_42 = arith.cmpi slt, %add3A_40, %lt3A_41 : i32
      %convert_element_type3A_43 = arith.extui %lt3A_42 : i1 to i32
      %cond3A_44 = arith.constant 0 : i32
      %cond3A_45 = arith.cmpi ne, %convert_element_type3A_43, %cond3A_44 : i32
      scf.if %cond3A_45 {
        %dma_start3A = arith.constant 0 : i32
        %dma_start3A_123 = tpu.memref_slice %arg6[%add3A_40, %dma_start3A] : memref<125x80xf32, #tpu.memory_space<vmem>> -> memref<1x80xf32, #tpu.memory_space<vmem>>
        %dma_start3A_124 = tpu.memref_squeeze %dma_start3A_123 : memref<1x80xf32, #tpu.memory_space<vmem>> -> memref<80xf32, #tpu.memory_space<vmem>>
        %dma_start3A_125 = arith.constant 0 : i32
        %dma_start3A_126 = tpu.memref_slice %arg5[%add3A_40, %dma_start3A_125] : memref<125x80xi32, #tpu.memory_space<vmem>> -> memref<1x80xi32, #tpu.memory_space<vmem>>
        %dma_start3A_127 = tpu.memref_squeeze %dma_start3A_126 : memref<1x80xi32, #tpu.memory_space<vmem>> -> memref<80xi32, #tpu.memory_space<vmem>>
        %dma_start3A_128 = arith.constant 0 : i32
        %dma_start3A_129 = tpu.memref_slice %arg7[%dma_start3A_128] : memref<5120xf32, #tpu.memory_space<vmem_shared>> -> memref<5120xf32, #tpu.memory_space<vmem_shared>>
        tpu.enqueue_indirect_dma source(%dma_start3A_129 : memref<5120xf32, #tpu.memory_space<vmem_shared>>) target(%dma_start3A_124 : memref<80xf32, #tpu.memory_space<vmem>>) offsets(%dma_start3A_127 : memref<80xi32, #tpu.memory_space<vmem>>) semaphore(%arg8 : memref<!tpu.dma_semaphore, #tpu.memory_space<semaphore_mem>>)
      } else {
      }
      %add3A_46 = arith.constant 5 : i32
      %add3A_47 = arith.addi %add3A_11, %add3A_46 : i32
      %lt3A_48 = arith.constant 125 : i32
      %lt3A_49 = arith.cmpi slt, %add3A_47, %lt3A_48 : i32
      %convert_element_type3A_50 = arith.extui %lt3A_49 : i1 to i32
      %cond3A_51 = arith.constant 0 : i32
      %cond3A_52 = arith.cmpi ne, %convert_element_type3A_50, %cond3A_51 : i32
      scf.if %cond3A_52 {
        %dma_start3A = arith.constant 0 : i32
        %dma_start3A_123 = tpu.memref_slice %arg6[%add3A_47, %dma_start3A] : memref<125x80xf32, #tpu.memory_space<vmem>> -> memref<1x80xf32, #tpu.memory_space<vmem>>
        %dma_start3A_124 = tpu.memref_squeeze %dma_start3A_123 : memref<1x80xf32, #tpu.memory_space<vmem>> -> memref<80xf32, #tpu.memory_space<vmem>>
        %dma_start3A_125 = arith.constant 0 : i32
        %dma_start3A_126 = tpu.memref_slice %arg5[%add3A_47, %dma_start3A_125] : memref<125x80xi32, #tpu.memory_space<vmem>> -> memref<1x80xi32, #tpu.memory_space<vmem>>
        %dma_start3A_127 = tpu.memref_squeeze %dma_start3A_126 : memref<1x80xi32, #tpu.memory_space<vmem>> -> memref<80xi32, #tpu.memory_space<vmem>>
        %dma_start3A_128 = arith.constant 0 : i32
        %dma_start3A_129 = tpu.memref_slice %arg7[%dma_start3A_128] : memref<5120xf32, #tpu.memory_space<vmem_shared>> -> memref<5120xf32, #tpu.memory_space<vmem_shared>>
        tpu.enqueue_indirect_dma source(%dma_start3A_129 : memref<5120xf32, #tpu.memory_space<vmem_shared>>) target(%dma_start3A_124 : memref<80xf32, #tpu.memory_space<vmem>>) offsets(%dma_start3A_127 : memref<80xi32, #tpu.memory_space<vmem>>) semaphore(%arg8 : memref<!tpu.dma_semaphore, #tpu.memory_space<semaphore_mem>>)
      } else {
      }
      %add3A_53 = arith.constant 6 : i32
      %add3A_54 = arith.addi %add3A_11, %add3A_53 : i32
      %lt3A_55 = arith.constant 125 : i32
      %lt3A_56 = arith.cmpi slt, %add3A_54, %lt3A_55 : i32
      %convert_element_type3A_57 = arith.extui %lt3A_56 : i1 to i32
      %cond3A_58 = arith.constant 0 : i32
      %cond3A_59 = arith.cmpi ne, %convert_element_type3A_57, %cond3A_58 : i32
      scf.if %cond3A_59 {
        %dma_start3A = arith.constant 0 : i32
        %dma_start3A_123 = tpu.memref_slice %arg6[%add3A_54, %dma_start3A] : memref<125x80xf32, #tpu.memory_space<vmem>> -> memref<1x80xf32, #tpu.memory_space<vmem>>
        %dma_start3A_124 = tpu.memref_squeeze %dma_start3A_123 : memref<1x80xf32, #tpu.memory_space<vmem>> -> memref<80xf32, #tpu.memory_space<vmem>>
        %dma_start3A_125 = arith.constant 0 : i32
        %dma_start3A_126 = tpu.memref_slice %arg5[%add3A_54, %dma_start3A_125] : memref<125x80xi32, #tpu.memory_space<vmem>> -> memref<1x80xi32, #tpu.memory_space<vmem>>
        %dma_start3A_127 = tpu.memref_squeeze %dma_start3A_126 : memref<1x80xi32, #tpu.memory_space<vmem>> -> memref<80xi32, #tpu.memory_space<vmem>>
        %dma_start3A_128 = arith.constant 0 : i32
        %dma_start3A_129 = tpu.memref_slice %arg7[%dma_start3A_128] : memref<5120xf32, #tpu.memory_space<vmem_shared>> -> memref<5120xf32, #tpu.memory_space<vmem_shared>>
        tpu.enqueue_indirect_dma source(%dma_start3A_129 : memref<5120xf32, #tpu.memory_space<vmem_shared>>) target(%dma_start3A_124 : memref<80xf32, #tpu.memory_space<vmem>>) offsets(%dma_start3A_127 : memref<80xi32, #tpu.memory_space<vmem>>) semaphore(%arg8 : memref<!tpu.dma_semaphore, #tpu.memory_space<semaphore_mem>>)
      } else {
      }
      %add3A_60 = arith.constant 7 : i32
      %add3A_61 = arith.addi %add3A_11, %add3A_60 : i32
      %lt3A_62 = arith.constant 125 : i32
      %lt3A_63 = arith.cmpi slt, %add3A_61, %lt3A_62 : i32
      %convert_element_type3A_64 = arith.extui %lt3A_63 : i1 to i32
      %cond3A_65 = arith.constant 0 : i32
      %cond3A_66 = arith.cmpi ne, %convert_element_type3A_64, %cond3A_65 : i32
      scf.if %cond3A_66 {
        %dma_start3A = arith.constant 0 : i32
        %dma_start3A_123 = tpu.memref_slice %arg6[%add3A_61, %dma_start3A] : memref<125x80xf32, #tpu.memory_space<vmem>> -> memref<1x80xf32, #tpu.memory_space<vmem>>
        %dma_start3A_124 = tpu.memref_squeeze %dma_start3A_123 : memref<1x80xf32, #tpu.memory_space<vmem>> -> memref<80xf32, #tpu.memory_space<vmem>>
        %dma_start3A_125 = arith.constant 0 : i32
        %dma_start3A_126 = tpu.memref_slice %arg5[%add3A_61, %dma_start3A_125] : memref<125x80xi32, #tpu.memory_space<vmem>> -> memref<1x80xi32, #tpu.memory_space<vmem>>
        %dma_start3A_127 = tpu.memref_squeeze %dma_start3A_126 : memref<1x80xi32, #tpu.memory_space<vmem>> -> memref<80xi32, #tpu.memory_space<vmem>>
        %dma_start3A_128 = arith.constant 0 : i32
        %dma_start3A_129 = tpu.memref_slice %arg7[%dma_start3A_128] : memref<5120xf32, #tpu.memory_space<vmem_shared>> -> memref<5120xf32, #tpu.memory_space<vmem_shared>>
        tpu.enqueue_indirect_dma source(%dma_start3A_129 : memref<5120xf32, #tpu.memory_space<vmem_shared>>) target(%dma_start3A_124 : memref<80xf32, #tpu.memory_space<vmem>>) offsets(%dma_start3A_127 : memref<80xi32, #tpu.memory_space<vmem>>) semaphore(%arg8 : memref<!tpu.dma_semaphore, #tpu.memory_space<semaphore_mem>>)
      } else {
      }
      %add3A_67 = arith.constant 0 : i32
      %add3A_68 = arith.addi %add3A_11, %add3A_67 : i32
      %lt3A_69 = arith.constant 125 : i32
      %lt3A_70 = arith.cmpi slt, %add3A_68, %lt3A_69 : i32
      %convert_element_type3A_71 = arith.extui %lt3A_70 : i1 to i32
      %cond3A_72 = arith.constant 0 : i32
      %cond3A_73 = arith.cmpi ne, %convert_element_type3A_71, %cond3A_72 : i32
      scf.if %cond3A_73 {
        %dma_wait3A = arith.constant 0 : i32
        %dma_wait3A_123 = tpu.memref_slice %arg6[%add3A_68, %dma_wait3A] : memref<125x80xf32, #tpu.memory_space<vmem>> -> memref<1x80xf32, #tpu.memory_space<vmem>>
        %dma_wait3A_124 = tpu.memref_squeeze %dma_wait3A_123 : memref<1x80xf32, #tpu.memory_space<vmem>> -> memref<80xf32, #tpu.memory_space<vmem>>
        %dma_wait3A_125 = arith.constant 0 : i32
        %dma_wait3A_126 = tpu.memref_slice %arg2[%dma_wait3A_125] : memref<5120xf32, #tpu.memory_space<hbm>> -> memref<80xf32, #tpu.memory_space<hbm>>
        %dma_wait3A_127 = arith.constant 0 : i32
        %dma_wait3A_128 = tpu.memref_slice %arg6[%add3A_68, %dma_wait3A_127] : memref<125x80xf32, #tpu.memory_space<vmem>> -> memref<1x80xf32, #tpu.memory_space<vmem>>
        %dma_wait3A_129 = tpu.memref_squeeze %dma_wait3A_128 : memref<1x80xf32, #tpu.memory_space<vmem>> -> memref<80xf32, #tpu.memory_space<vmem>>
        %dma_wait3A_130 = arith.constant 0 : i32
        %dma_wait3A_131 = tpu.memref_slice %arg2[%dma_wait3A_130] : memref<5120xf32, #tpu.memory_space<hbm>> -> memref<80xf32, #tpu.memory_space<hbm>>
        tpu.wait_dma2 semaphore(%arg8 : memref<!tpu.dma_semaphore, #tpu.memory_space<semaphore_mem>>) src(%dma_wait3A_131 : memref<80xf32, #tpu.memory_space<hbm>>) dst(%dma_wait3A_129 : memref<80xf32, #tpu.memory_space<vmem>>)
      } else {
      }
      %add3A_74 = arith.constant 1 : i32
      %add3A_75 = arith.addi %add3A_11, %add3A_74 : i32
      %lt3A_76 = arith.constant 125 : i32
      %lt3A_77 = arith.cmpi slt, %add3A_75, %lt3A_76 : i32
      %convert_element_type3A_78 = arith.extui %lt3A_77 : i1 to i32
      %cond3A_79 = arith.constant 0 : i32
      %cond3A_80 = arith.cmpi ne, %convert_element_type3A_78, %cond3A_79 : i32
      scf.if %cond3A_80 {
        %dma_wait3A = arith.constant 0 : i32
        %dma_wait3A_123 = tpu.memref_slice %arg6[%add3A_75, %dma_wait3A] : memref<125x80xf32, #tpu.memory_space<vmem>> -> memref<1x80xf32, #tpu.memory_space<vmem>>
        %dma_wait3A_124 = tpu.memref_squeeze %dma_wait3A_123 : memref<1x80xf32, #tpu.memory_space<vmem>> -> memref<80xf32, #tpu.memory_space<vmem>>
        %dma_wait3A_125 = arith.constant 0 : i32
        %dma_wait3A_126 = tpu.memref_slice %arg2[%dma_wait3A_125] : memref<5120xf32, #tpu.memory_space<hbm>> -> memref<80xf32, #tpu.memory_space<hbm>>
        %dma_wait3A_127 = arith.constant 0 : i32
        %dma_wait3A_128 = tpu.memref_slice %arg6[%add3A_75, %dma_wait3A_127] : memref<125x80xf32, #tpu.memory_space<vmem>> -> memref<1x80xf32, #tpu.memory_space<vmem>>
        %dma_wait3A_129 = tpu.memref_squeeze %dma_wait3A_128 : memref<1x80xf32, #tpu.memory_space<vmem>> -> memref<80xf32, #tpu.memory_space<vmem>>
        %dma_wait3A_130 = arith.constant 0 : i32
        %dma_wait3A_131 = tpu.memref_slice %arg2[%dma_wait3A_130] : memref<5120xf32, #tpu.memory_space<hbm>> -> memref<80xf32, #tpu.memory_space<hbm>>
        tpu.wait_dma2 semaphore(%arg8 : memref<!tpu.dma_semaphore, #tpu.memory_space<semaphore_mem>>) src(%dma_wait3A_131 : memref<80xf32, #tpu.memory_space<hbm>>) dst(%dma_wait3A_129 : memref<80xf32, #tpu.memory_space<vmem>>)
      } else {
      }
      %add3A_81 = arith.constant 2 : i32
      %add3A_82 = arith.addi %add3A_11, %add3A_81 : i32
      %lt3A_83 = arith.constant 125 : i32
      %lt3A_84 = arith.cmpi slt, %add3A_82, %lt3A_83 : i32
      %convert_element_type3A_85 = arith.extui %lt3A_84 : i1 to i32
      %cond3A_86 = arith.constant 0 : i32
      %cond3A_87 = arith.cmpi ne, %convert_element_type3A_85, %cond3A_86 : i32
      scf.if %cond3A_87 {
        %dma_wait3A = arith.constant 0 : i32
        %dma_wait3A_123 = tpu.memref_slice %arg6[%add3A_82, %dma_wait3A] : memref<125x80xf32, #tpu.memory_space<vmem>> -> memref<1x80xf32, #tpu.memory_space<vmem>>
        %dma_wait3A_124 = tpu.memref_squeeze %dma_wait3A_123 : memref<1x80xf32, #tpu.memory_space<vmem>> -> memref<80xf32, #tpu.memory_space<vmem>>
        %dma_wait3A_125 = arith.constant 0 : i32
        %dma_wait3A_126 = tpu.memref_slice %arg2[%dma_wait3A_125] : memref<5120xf32, #tpu.memory_space<hbm>> -> memref<80xf32, #tpu.memory_space<hbm>>
        %dma_wait3A_127 = arith.constant 0 : i32
        %dma_wait3A_128 = tpu.memref_slice %arg6[%add3A_82, %dma_wait3A_127] : memref<125x80xf32, #tpu.memory_space<vmem>> -> memref<1x80xf32, #tpu.memory_space<vmem>>
        %dma_wait3A_129 = tpu.memref_squeeze %dma_wait3A_128 : memref<1x80xf32, #tpu.memory_space<vmem>> -> memref<80xf32, #tpu.memory_space<vmem>>
        %dma_wait3A_130 = arith.constant 0 : i32
        %dma_wait3A_131 = tpu.memref_slice %arg2[%dma_wait3A_130] : memref<5120xf32, #tpu.memory_space<hbm>> -> memref<80xf32, #tpu.memory_space<hbm>>
        tpu.wait_dma2 semaphore(%arg8 : memref<!tpu.dma_semaphore, #tpu.memory_space<semaphore_mem>>) src(%dma_wait3A_131 : memref<80xf32, #tpu.memory_space<hbm>>) dst(%dma_wait3A_129 : memref<80xf32, #tpu.memory_space<vmem>>)
      } else {
      }
      %add3A_88 = arith.constant 3 : i32
      %add3A_89 = arith.addi %add3A_11, %add3A_88 : i32
      %lt3A_90 = arith.constant 125 : i32
      %lt3A_91 = arith.cmpi slt, %add3A_89, %lt3A_90 : i32
      %convert_element_type3A_92 = arith.extui %lt3A_91 : i1 to i32
      %cond3A_93 = arith.constant 0 : i32
      %cond3A_94 = arith.cmpi ne, %convert_element_type3A_92, %cond3A_93 : i32
      scf.if %cond3A_94 {
        %dma_wait3A = arith.constant 0 : i32
        %dma_wait3A_123 = tpu.memref_slice %arg6[%add3A_89, %dma_wait3A] : memref<125x80xf32, #tpu.memory_space<vmem>> -> memref<1x80xf32, #tpu.memory_space<vmem>>
        %dma_wait3A_124 = tpu.memref_squeeze %dma_wait3A_123 : memref<1x80xf32, #tpu.memory_space<vmem>> -> memref<80xf32, #tpu.memory_space<vmem>>
        %dma_wait3A_125 = arith.constant 0 : i32
        %dma_wait3A_126 = tpu.memref_slice %arg2[%dma_wait3A_125] : memref<5120xf32, #tpu.memory_space<hbm>> -> memref<80xf32, #tpu.memory_space<hbm>>
        %dma_wait3A_127 = arith.constant 0 : i32
        %dma_wait3A_128 = tpu.memref_slice %arg6[%add3A_89, %dma_wait3A_127] : memref<125x80xf32, #tpu.memory_space<vmem>> -> memref<1x80xf32, #tpu.memory_space<vmem>>
        %dma_wait3A_129 = tpu.memref_squeeze %dma_wait3A_128 : memref<1x80xf32, #tpu.memory_space<vmem>> -> memref<80xf32, #tpu.memory_space<vmem>>
        %dma_wait3A_130 = arith.constant 0 : i32
        %dma_wait3A_131 = tpu.memref_slice %arg2[%dma_wait3A_130] : memref<5120xf32, #tpu.memory_space<hbm>> -> memref<80xf32, #tpu.memory_space<hbm>>
        tpu.wait_dma2 semaphore(%arg8 : memref<!tpu.dma_semaphore, #tpu.memory_space<semaphore_mem>>) src(%dma_wait3A_131 : memref<80xf32, #tpu.memory_space<hbm>>) dst(%dma_wait3A_129 : memref<80xf32, #tpu.memory_space<vmem>>)
      } else {
      }
      %add3A_95 = arith.constant 4 : i32
      %add3A_96 = arith.addi %add3A_11, %add3A_95 : i32
      %lt3A_97 = arith.constant 125 : i32
      %lt3A_98 = arith.cmpi slt, %add3A_96, %lt3A_97 : i32
      %convert_element_type3A_99 = arith.extui %lt3A_98 : i1 to i32
      %cond3A_100 = arith.constant 0 : i32
      %cond3A_101 = arith.cmpi ne, %convert_element_type3A_99, %cond3A_100 : i32
      scf.if %cond3A_101 {
        %dma_wait3A = arith.constant 0 : i32
        %dma_wait3A_123 = tpu.memref_slice %arg6[%add3A_96, %dma_wait3A] : memref<125x80xf32, #tpu.memory_space<vmem>> -> memref<1x80xf32, #tpu.memory_space<vmem>>
        %dma_wait3A_124 = tpu.memref_squeeze %dma_wait3A_123 : memref<1x80xf32, #tpu.memory_space<vmem>> -> memref<80xf32, #tpu.memory_space<vmem>>
        %dma_wait3A_125 = arith.constant 0 : i32
        %dma_wait3A_126 = tpu.memref_slice %arg2[%dma_wait3A_125] : memref<5120xf32, #tpu.memory_space<hbm>> -> memref<80xf32, #tpu.memory_space<hbm>>
        %dma_wait3A_127 = arith.constant 0 : i32
        %dma_wait3A_128 = tpu.memref_slice %arg6[%add3A_96, %dma_wait3A_127] : memref<125x80xf32, #tpu.memory_space<vmem>> -> memref<1x80xf32, #tpu.memory_space<vmem>>
        %dma_wait3A_129 = tpu.memref_squeeze %dma_wait3A_128 : memref<1x80xf32, #tpu.memory_space<vmem>> -> memref<80xf32, #tpu.memory_space<vmem>>
        %dma_wait3A_130 = arith.constant 0 : i32
        %dma_wait3A_131 = tpu.memref_slice %arg2[%dma_wait3A_130] : memref<5120xf32, #tpu.memory_space<hbm>> -> memref<80xf32, #tpu.memory_space<hbm>>
        tpu.wait_dma2 semaphore(%arg8 : memref<!tpu.dma_semaphore, #tpu.memory_space<semaphore_mem>>) src(%dma_wait3A_131 : memref<80xf32, #tpu.memory_space<hbm>>) dst(%dma_wait3A_129 : memref<80xf32, #tpu.memory_space<vmem>>)
      } else {
      }
      %add3A_102 = arith.constant 5 : i32
      %add3A_103 = arith.addi %add3A_11, %add3A_102 : i32
      %lt3A_104 = arith.constant 125 : i32
      %lt3A_105 = arith.cmpi slt, %add3A_103, %lt3A_104 : i32
      %convert_element_type3A_106 = arith.extui %lt3A_105 : i1 to i32
      %cond3A_107 = arith.constant 0 : i32
      %cond3A_108 = arith.cmpi ne, %convert_element_type3A_106, %cond3A_107 : i32
      scf.if %cond3A_108 {
        %dma_wait3A = arith.constant 0 : i32
        %dma_wait3A_123 = tpu.memref_slice %arg6[%add3A_103, %dma_wait3A] : memref<125x80xf32, #tpu.memory_space<vmem>> -> memref<1x80xf32, #tpu.memory_space<vmem>>
        %dma_wait3A_124 = tpu.memref_squeeze %dma_wait3A_123 : memref<1x80xf32, #tpu.memory_space<vmem>> -> memref<80xf32, #tpu.memory_space<vmem>>
        %dma_wait3A_125 = arith.constant 0 : i32
        %dma_wait3A_126 = tpu.memref_slice %arg2[%dma_wait3A_125] : memref<5120xf32, #tpu.memory_space<hbm>> -> memref<80xf32, #tpu.memory_space<hbm>>
        %dma_wait3A_127 = arith.constant 0 : i32
        %dma_wait3A_128 = tpu.memref_slice %arg6[%add3A_103, %dma_wait3A_127] : memref<125x80xf32, #tpu.memory_space<vmem>> -> memref<1x80xf32, #tpu.memory_space<vmem>>
        %dma_wait3A_129 = tpu.memref_squeeze %dma_wait3A_128 : memref<1x80xf32, #tpu.memory_space<vmem>> -> memref<80xf32, #tpu.memory_space<vmem>>
        %dma_wait3A_130 = arith.constant 0 : i32
        %dma_wait3A_131 = tpu.memref_slice %arg2[%dma_wait3A_130] : memref<5120xf32, #tpu.memory_space<hbm>> -> memref<80xf32, #tpu.memory_space<hbm>>
        tpu.wait_dma2 semaphore(%arg8 : memref<!tpu.dma_semaphore, #tpu.memory_space<semaphore_mem>>) src(%dma_wait3A_131 : memref<80xf32, #tpu.memory_space<hbm>>) dst(%dma_wait3A_129 : memref<80xf32, #tpu.memory_space<vmem>>)
      } else {
      }
      %add3A_109 = arith.constant 6 : i32
      %add3A_110 = arith.addi %add3A_11, %add3A_109 : i32
      %lt3A_111 = arith.constant 125 : i32
      %lt3A_112 = arith.cmpi slt, %add3A_110, %lt3A_111 : i32
      %convert_element_type3A_113 = arith.extui %lt3A_112 : i1 to i32
      %cond3A_114 = arith.constant 0 : i32
      %cond3A_115 = arith.cmpi ne, %convert_element_type3A_113, %cond3A_114 : i32
      scf.if %cond3A_115 {
        %dma_wait3A = arith.constant 0 : i32
        %dma_wait3A_123 = tpu.memref_slice %arg6[%add3A_110, %dma_wait3A] : memref<125x80xf32, #tpu.memory_space<vmem>> -> memref<1x80xf32, #tpu.memory_space<vmem>>
        %dma_wait3A_124 = tpu.memref_squeeze %dma_wait3A_123 : memref<1x80xf32, #tpu.memory_space<vmem>> -> memref<80xf32, #tpu.memory_space<vmem>>
        %dma_wait3A_125 = arith.constant 0 : i32
        %dma_wait3A_126 = tpu.memref_slice %arg2[%dma_wait3A_125] : memref<5120xf32, #tpu.memory_space<hbm>> -> memref<80xf32, #tpu.memory_space<hbm>>
        %dma_wait3A_127 = arith.constant 0 : i32
        %dma_wait3A_128 = tpu.memref_slice %arg6[%add3A_110, %dma_wait3A_127] : memref<125x80xf32, #tpu.memory_space<vmem>> -> memref<1x80xf32, #tpu.memory_space<vmem>>
        %dma_wait3A_129 = tpu.memref_squeeze %dma_wait3A_128 : memref<1x80xf32, #tpu.memory_space<vmem>> -> memref<80xf32, #tpu.memory_space<vmem>>
        %dma_wait3A_130 = arith.constant 0 : i32
        %dma_wait3A_131 = tpu.memref_slice %arg2[%dma_wait3A_130] : memref<5120xf32, #tpu.memory_space<hbm>> -> memref<80xf32, #tpu.memory_space<hbm>>
        tpu.wait_dma2 semaphore(%arg8 : memref<!tpu.dma_semaphore, #tpu.memory_space<semaphore_mem>>) src(%dma_wait3A_131 : memref<80xf32, #tpu.memory_space<hbm>>) dst(%dma_wait3A_129 : memref<80xf32, #tpu.memory_space<vmem>>)
      } else {
      }
      %add3A_116 = arith.constant 7 : i32
      %add3A_117 = arith.addi %add3A_11, %add3A_116 : i32
      %lt3A_118 = arith.constant 125 : i32
      %lt3A_119 = arith.cmpi slt, %add3A_117, %lt3A_118 : i32
      %convert_element_type3A_120 = arith.extui %lt3A_119 : i1 to i32
      %cond3A_121 = arith.constant 0 : i32
      %cond3A_122 = arith.cmpi ne, %convert_element_type3A_120, %cond3A_121 : i32
      scf.if %cond3A_122 {
        %dma_wait3A = arith.constant 0 : i32
        %dma_wait3A_123 = tpu.memref_slice %arg6[%add3A_117, %dma_wait3A] : memref<125x80xf32, #tpu.memory_space<vmem>> -> memref<1x80xf32, #tpu.memory_space<vmem>>
        %dma_wait3A_124 = tpu.memref_squeeze %dma_wait3A_123 : memref<1x80xf32, #tpu.memory_space<vmem>> -> memref<80xf32, #tpu.memory_space<vmem>>
        %dma_wait3A_125 = arith.constant 0 : i32
        %dma_wait3A_126 = tpu.memref_slice %arg2[%dma_wait3A_125] : memref<5120xf32, #tpu.memory_space<hbm>> -> memref<80xf32, #tpu.memory_space<hbm>>
        %dma_wait3A_127 = arith.constant 0 : i32
        %dma_wait3A_128 = tpu.memref_slice %arg6[%add3A_117, %dma_wait3A_127] : memref<125x80xf32, #tpu.memory_space<vmem>> -> memref<1x80xf32, #tpu.memory_space<vmem>>
        %dma_wait3A_129 = tpu.memref_squeeze %dma_wait3A_128 : memref<1x80xf32, #tpu.memory_space<vmem>> -> memref<80xf32, #tpu.memory_space<vmem>>
        %dma_wait3A_130 = arith.constant 0 : i32
        %dma_wait3A_131 = tpu.memref_slice %arg2[%dma_wait3A_130] : memref<5120xf32, #tpu.memory_space<hbm>> -> memref<80xf32, #tpu.memory_space<hbm>>
        tpu.wait_dma2 semaphore(%arg8 : memref<!tpu.dma_semaphore, #tpu.memory_space<semaphore_mem>>) src(%dma_wait3A_131 : memref<80xf32, #tpu.memory_space<hbm>>) dst(%dma_wait3A_129 : memref<80xf32, #tpu.memory_space<vmem>>)
      } else {
      }
    }
    %scan3A_6 = arith.constant 16 : i32
    "tpu.region"() ({
      %run_scoped3A = tpu.sem_alloc : memref<!tpu.dma_semaphore, #tpu.memory_space<semaphore_mem>>
      %dma_start3A = arith.constant 0 : i32
      %dma_start3A_7 = arith.constant 0 : i32
      %dma_start3A_8 = tpu.memref_slice %arg4[%add3A, %dma_start3A, %dma_start3A_7] : memref<32x125x80xf32, #tpu.memory_space<hbm>> -> memref<1x125x80xf32, #tpu.memory_space<hbm>>
      %dma_start3A_9 = tpu.memref_squeeze %dma_start3A_8 : memref<1x125x80xf32, #tpu.memory_space<hbm>> -> memref<125x80xf32, #tpu.memory_space<hbm>>
      %dma_start3A_10 = arith.constant 0 : i32
      %dma_start3A_11 = arith.constant 0 : i32
      %dma_start3A_12 = tpu.memref_slice %arg4[%add3A, %dma_start3A_10, %dma_start3A_11] : memref<32x125x80xf32, #tpu.memory_space<hbm>> -> memref<1x125x80xf32, #tpu.memory_space<hbm>>
      %dma_start3A_13 = tpu.memref_squeeze %dma_start3A_12 : memref<1x125x80xf32, #tpu.memory_space<hbm>> -> memref<125x80xf32, #tpu.memory_space<hbm>>
      tpu.enqueue_dma source(%arg6 : memref<125x80xf32, #tpu.memory_space<vmem>>) target(%dma_start3A_13 : memref<125x80xf32, #tpu.memory_space<hbm>>) target_semaphore(%run_scoped3A : memref<!tpu.dma_semaphore, #tpu.memory_space<semaphore_mem>>)
      %dma_wait3A = arith.constant 0 : i32
      %dma_wait3A_14 = arith.constant 0 : i32
      %dma_wait3A_15 = tpu.memref_slice %arg4[%add3A, %dma_wait3A, %dma_wait3A_14] : memref<32x125x80xf32, #tpu.memory_space<hbm>> -> memref<1x125x80xf32, #tpu.memory_space<hbm>>
      %dma_wait3A_16 = tpu.memref_squeeze %dma_wait3A_15 : memref<1x125x80xf32, #tpu.memory_space<hbm>> -> memref<125x80xf32, #tpu.memory_space<hbm>>
      %dma_wait3A_17 = arith.constant 0 : i32
      %dma_wait3A_18 = arith.constant 0 : i32
      %dma_wait3A_19 = tpu.memref_slice %arg4[%add3A, %dma_wait3A_17, %dma_wait3A_18] : memref<32x125x80xf32, #tpu.memory_space<hbm>> -> memref<1x125x80xf32, #tpu.memory_space<hbm>>
      %dma_wait3A_20 = tpu.memref_squeeze %dma_wait3A_19 : memref<1x125x80xf32, #tpu.memory_space<hbm>> -> memref<125x80xf32, #tpu.memory_space<hbm>>
      tpu.wait_dma2 semaphore(%run_scoped3A : memref<!tpu.dma_semaphore, #tpu.memory_space<semaphore_mem>>) src(%arg6 : memref<125x80xf32, #tpu.memory_space<vmem>>) dst(%dma_wait3A_20 : memref<125x80xf32, #tpu.memory_space<hbm>>)
      tpu.yield
    }) : () -> ()
    return
  }
}

module attributes {stable_mosaic.version = 14 : i64} {
  func.func @_tc_scale_body(%arg0: memref<2x5120x32xf32, #tpu.memory_space<vmem>>, %arg1: memref<5120x128xf32, #tpu.memory_space<vmem>>, %arg2: memref<5120x128xf32, #tpu.memory_space<vmem>>) attributes {dimension_semantics = [], scalar_prefetch = 0 : i64, scratch_operands = 0 : i64, tpu.core_type = #tpu.core_type<tc>} {
    %get3A = arith.constant 0 : index
    %get3A_0 = arith.constant 0 : index
    %get3A_1 = arith.constant 0 : index
    %get3A_2 = vector.load %arg0[%get3A, %get3A_0, %get3A_1] : memref<2x5120x32xf32, #tpu.memory_space<vmem>>, vector<1x5120x32xf32>
    %get3A_3 = vector.shape_cast %get3A_2 : vector<1x5120x32xf32> to vector<5120x32xf32>
    %reduce_sum3A = arith.constant dense<0.000000e+00> : vector<5120xf32>
    %reduce_sum3A_4 = vector.multi_reduction <add>, %get3A_3, %reduce_sum3A [1] : vector<5120x32xf32> to vector<5120xf32>
    %broadcast_in_dim3A = vector.shape_cast %reduce_sum3A_4 : vector<5120xf32> to vector<5120x1xf32>
    %jit3A = arith.constant 1.000000e+00 : f32
    %max3A = vector.broadcast %jit3A : f32 to vector<5120x1xf32>
    %max3A_5 = arith.maximumf %max3A, %broadcast_in_dim3A : vector<5120x1xf32>
    %rsqrt3A = math.rsqrt %max3A_5 : vector<5120x1xf32>
    %get3A_6 = arith.constant 0 : index
    %get3A_7 = arith.constant 0 : index
    %get3A_8 = vector.load %arg1[%get3A_6, %get3A_7] : memref<5120x128xf32, #tpu.memory_space<vmem>>, vector<5120x128xf32>
    %mul3A = vector.broadcast %rsqrt3A : vector<5120x1xf32> to vector<5120x128xf32>
    %mul3A_9 = arith.mulf %get3A_8, %mul3A : vector<5120x128xf32>
    %swap3A = arith.constant 0 : index
    %swap3A_10 = arith.constant 0 : index
    %swap3A_11 = vector.load %arg2[%swap3A, %swap3A_10] : memref<5120x128xf32, #tpu.memory_space<vmem>>, vector<5120x128xf32>
    tpu.vector_store %arg2[%swap3A, %swap3A_10], %mul3A_9 {strides = array<i32>} : memref<5120x128xf32, #tpu.memory_space<vmem>>, vector<5120x128xf32>,
    return
  }
}

module attributes {stable_mosaic.version = 14 : i64} {
  func.func @_tc_mlp_body(%arg0: memref<10240x128xf32, #tpu.memory_space<vmem>>, %arg1: memref<2x5120x32xf32, #tpu.memory_space<vmem>>, %arg2: memref<256x256xf32, #tpu.memory_space<vmem>>, %arg3: memref<1x256xf32, #tpu.memory_space<vmem>>, %arg4: memref<512x256xf32, #tpu.memory_space<vmem>>, %arg5: memref<1x256xf32, #tpu.memory_space<vmem>>, %arg6: memref<1x256xf32, #tpu.memory_space<vmem>>, %arg7: memref<1x256xf32, #tpu.memory_space<vmem>>, %arg8: memref<256x128xf32, #tpu.memory_space<vmem>>, %arg9: memref<1x128xf32, #tpu.memory_space<vmem>>, %arg10: memref<1x128xf32, #tpu.memory_space<vmem>>, %arg11: memref<1x128xf32, #tpu.memory_space<vmem>>, %arg12: memref<128x1xf32, #tpu.memory_space<vmem>>, %arg13: memref<1x1xf32, #tpu.memory_space<vmem>>, %arg14: memref<5120x1xf32, #tpu.memory_space<vmem>>) attributes {dimension_semantics = [], scalar_prefetch = 0 : i64, scratch_operands = 0 : i64, tpu.core_type = #tpu.core_type<tc>} {
    %get3A = arith.constant 0 : index
    %get3A_0 = arith.constant 0 : index
    %get3A_1 = vector.load %arg0[%get3A, %get3A_0] : memref<10240x128xf32, #tpu.memory_space<vmem>>, vector<5120x128xf32>
    %get3A_2 = arith.constant 5120 : index
    %get3A_3 = arith.constant 0 : index
    %get3A_4 = vector.load %arg0[%get3A_2, %get3A_3] : memref<10240x128xf32, #tpu.memory_space<vmem>>, vector<5120x128xf32>
    %add3A = arith.addf %get3A_1, %get3A_4 : vector<5120x128xf32>
    %get3A_5 = arith.constant 1 : index
    %get3A_6 = arith.constant 0 : index
    %get3A_7 = arith.constant 0 : index
    %get3A_8 = vector.load %arg1[%get3A_5, %get3A_6, %get3A_7] : memref<2x5120x32xf32, #tpu.memory_space<vmem>>, vector<1x5120x32xf32>
    %get3A_9 = vector.shape_cast %get3A_8 : vector<1x5120x32xf32> to vector<5120x32xf32>
    %reduce_sum3A = arith.constant dense<0.000000e+00> : vector<5120xf32>
    %reduce_sum3A_10 = vector.multi_reduction <add>, %get3A_9, %reduce_sum3A [1] : vector<5120x32xf32> to vector<5120xf32>
    %broadcast_in_dim3A = vector.shape_cast %reduce_sum3A_10 : vector<5120xf32> to vector<5120x1xf32>
    %jit3A = arith.constant 1.000000e+00 : f32
    %max3A = vector.broadcast %jit3A : f32 to vector<5120x1xf32>
    %max3A_11 = arith.maximumf %max3A, %broadcast_in_dim3A : vector<5120x1xf32>
    %rsqrt3A = math.rsqrt %max3A_11 : vector<5120x1xf32>
    %mul3A = vector.broadcast %rsqrt3A : vector<5120x1xf32> to vector<5120x128xf32>
    %mul3A_12 = arith.mulf %add3A, %mul3A : vector<5120x128xf32>
    %get3A_13 = arith.constant 0 : index
    %get3A_14 = arith.constant 0 : index
    %get3A_15 = vector.load %arg2[%get3A_13, %get3A_14] : memref<256x256xf32, #tpu.memory_space<vmem>>, vector<128x256xf32>
    %dot_general3A = arith.constant dense<0.000000e+00> : vector<5120x256xf32>
    %dot_general3A_16 = tpu.matmul %mul3A_12, %get3A_15, %dot_general3A {dimension_numbers = #tpu.dot_dimension_numbers<[1], [0], [0], [1], [0, 0, 1, 1], [], []>, transpose_lhs_hint = false} : vector<5120x128xf32>, vector<128x256xf32>, vector<5120x256xf32> -> vector<5120x256xf32>
    %get3A_17 = arith.constant 0 : index
    %get3A_18 = arith.constant 0 : index
    %get3A_19 = vector.load %arg3[%get3A_17, %get3A_18] : memref<1x256xf32, #tpu.memory_space<vmem>>, vector<1x256xf32>
    %add3A_20 = vector.broadcast %get3A_19 : vector<1x256xf32> to vector<5120x256xf32>
    %add3A_21 = arith.addf %dot_general3A_16, %add3A_20 : vector<5120x256xf32>
    %get3A_22 = arith.constant 256 : index
    %get3A_23 = arith.constant 0 : index
    %get3A_24 = vector.load %arg4[%get3A_22, %get3A_23] : memref<512x256xf32, #tpu.memory_space<vmem>>, vector<256x256xf32>
    %dot_general3A_25 = arith.constant dense<0.000000e+00> : vector<5120x256xf32>
    %dot_general3A_26 = tpu.matmul %add3A_21, %get3A_24, %dot_general3A_25 {dimension_numbers = #tpu.dot_dimension_numbers<[1], [0], [0], [1], [0, 0, 1, 1], [], []>, transpose_lhs_hint = false} : vector<5120x256xf32>, vector<256x256xf32>, vector<5120x256xf32> -> vector<5120x256xf32>
    %get3A_27 = arith.constant 0 : index
    %get3A_28 = arith.constant 0 : index
    %get3A_29 = vector.load %arg3[%get3A_27, %get3A_28] : memref<1x256xf32, #tpu.memory_space<vmem>>, vector<1x256xf32>
    %get3A_30 = arith.constant 0 : index
    %get3A_31 = arith.constant 0 : index
    %get3A_32 = vector.load %arg4[%get3A_30, %get3A_31] : memref<512x256xf32, #tpu.memory_space<vmem>>, vector<256x256xf32>
    %dot_general3A_33 = arith.constant dense<0.000000e+00> : vector<1x256xf32>
    %dot_general3A_34 = tpu.matmul %get3A_29, %get3A_32, %dot_general3A_33 {dimension_numbers = #tpu.dot_dimension_numbers<[1], [0], [0], [1], [0, 0, 1, 1], [], []>, transpose_lhs_hint = false} : vector<1x256xf32>, vector<256x256xf32>, vector<1x256xf32> -> vector<1x256xf32>
    %add3A_35 = vector.broadcast %dot_general3A_34 : vector<1x256xf32> to vector<5120x256xf32>
    %add3A_36 = arith.addf %dot_general3A_26, %add3A_35 : vector<5120x256xf32>
    %get3A_37 = arith.constant 0 : index
    %get3A_38 = arith.constant 0 : index
    %get3A_39 = vector.load %arg5[%get3A_37, %get3A_38] : memref<1x256xf32, #tpu.memory_space<vmem>>, vector<1x256xf32>
    %add3A_40 = vector.broadcast %get3A_39 : vector<1x256xf32> to vector<5120x256xf32>
    %add3A_41 = arith.addf %add3A_36, %add3A_40 : vector<5120x256xf32>
    %mul3A_42 = arith.constant 3.125000e-06 : f32
    %mul3A_43 = vector.broadcast %mul3A_42 : f32 to vector<5120x1xf32>
    %mul3A_44 = arith.mulf %broadcast_in_dim3A, %mul3A_43 : vector<5120x1xf32>
    %mul3A_45 = vector.broadcast %mul3A_44 : vector<5120x1xf32> to vector<5120x256xf32>
    %mul3A_46 = arith.mulf %add3A_41, %mul3A_45 : vector<5120x256xf32>
    %reduce_sum3A_47 = arith.constant dense<0.000000e+00> : vector<256xf32>
    %reduce_sum3A_48 = vector.multi_reduction <add>, %mul3A_46, %reduce_sum3A_47 [0] : vector<5120x256xf32> to vector<256xf32>
    %broadcast_in_dim3A_49 = vector.shape_cast %reduce_sum3A_48 : vector<256xf32> to vector<1x256xf32>
    %sub3A = vector.broadcast %broadcast_in_dim3A_49 : vector<1x256xf32> to vector<5120x256xf32>
    %sub3A_50 = arith.subf %add3A_41, %sub3A : vector<5120x256xf32>
    %mul3A_51 = arith.mulf %sub3A_50, %sub3A_50 : vector<5120x256xf32>
    %mul3A_52 = vector.broadcast %mul3A_44 : vector<5120x1xf32> to vector<5120x256xf32>
    %mul3A_53 = arith.mulf %mul3A_51, %mul3A_52 : vector<5120x256xf32>
    %reduce_sum3A_54 = arith.constant dense<0.000000e+00> : vector<256xf32>
    %reduce_sum3A_55 = vector.multi_reduction <add>, %mul3A_53, %reduce_sum3A_54 [0] : vector<5120x256xf32> to vector<256xf32>
    %broadcast_in_dim3A_56 = vector.shape_cast %reduce_sum3A_55 : vector<256xf32> to vector<1x256xf32>
    %add3A_57 = arith.constant 9.99999974E-6 : f32
    %add3A_58 = vector.broadcast %add3A_57 : f32 to vector<1x256xf32>
    %add3A_59 = arith.addf %broadcast_in_dim3A_56, %add3A_58 : vector<1x256xf32>
    %sqrt3A = math.sqrt %add3A_59 : vector<1x256xf32>
    %div3A = vector.broadcast %sqrt3A : vector<1x256xf32> to vector<5120x256xf32>
    %div3A_60 = arith.divf %sub3A_50, %div3A : vector<5120x256xf32>
    %get3A_61 = arith.constant 0 : index
    %get3A_62 = arith.constant 0 : index
    %get3A_63 = vector.load %arg6[%get3A_61, %get3A_62] : memref<1x256xf32, #tpu.memory_space<vmem>>, vector<1x256xf32>
    %mul3A_64 = vector.broadcast %get3A_63 : vector<1x256xf32> to vector<5120x256xf32>
    %mul3A_65 = arith.mulf %div3A_60, %mul3A_64 : vector<5120x256xf32>
    %get3A_66 = arith.constant 0 : index
    %get3A_67 = arith.constant 0 : index
    %get3A_68 = vector.load %arg7[%get3A_66, %get3A_67] : memref<1x256xf32, #tpu.memory_space<vmem>>, vector<1x256xf32>
    %add3A_69 = vector.broadcast %get3A_68 : vector<1x256xf32> to vector<5120x256xf32>
    %add3A_70 = arith.addf %mul3A_65, %add3A_69 : vector<5120x256xf32>
    %max3A_71 = arith.constant 0.000000e+00 : f32
    %max3A_72 = vector.broadcast %max3A_71 : f32 to vector<5120x256xf32>
    %max3A_73 = arith.maximumf %add3A_70, %max3A_72 : vector<5120x256xf32>
    %get3A_74 = arith.constant 0 : index
    %get3A_75 = arith.constant 0 : index
    %get3A_76 = vector.load %arg8[%get3A_74, %get3A_75] : memref<256x128xf32, #tpu.memory_space<vmem>>, vector<256x128xf32>
    %dot_general3A_77 = arith.constant dense<0.000000e+00> : vector<5120x128xf32>
    %dot_general3A_78 = tpu.matmul %max3A_73, %get3A_76, %dot_general3A_77 {dimension_numbers = #tpu.dot_dimension_numbers<[1], [0], [0], [1], [0, 0, 1, 1], [], []>, transpose_lhs_hint = false} : vector<5120x256xf32>, vector<256x128xf32>, vector<5120x128xf32> -> vector<5120x128xf32>
    %get3A_79 = arith.constant 0 : index
    %get3A_80 = arith.constant 0 : index
    %get3A_81 = vector.load %arg9[%get3A_79, %get3A_80] : memref<1x128xf32, #tpu.memory_space<vmem>>, vector<1x128xf32>
    %add3A_82 = vector.broadcast %get3A_81 : vector<1x128xf32> to vector<5120x128xf32>
    %add3A_83 = arith.addf %dot_general3A_78, %add3A_82 : vector<5120x128xf32>
    %mul3A_84 = vector.broadcast %mul3A_44 : vector<5120x1xf32> to vector<5120x128xf32>
    %mul3A_85 = arith.mulf %add3A_83, %mul3A_84 : vector<5120x128xf32>
    %reduce_sum3A_86 = arith.constant dense<0.000000e+00> : vector<128xf32>
    %reduce_sum3A_87 = vector.multi_reduction <add>, %mul3A_85, %reduce_sum3A_86 [0] : vector<5120x128xf32> to vector<128xf32>
    %broadcast_in_dim3A_88 = vector.shape_cast %reduce_sum3A_87 : vector<128xf32> to vector<1x128xf32>
    %sub3A_89 = vector.broadcast %broadcast_in_dim3A_88 : vector<1x128xf32> to vector<5120x128xf32>
    %sub3A_90 = arith.subf %add3A_83, %sub3A_89 : vector<5120x128xf32>
    %mul3A_91 = arith.mulf %sub3A_90, %sub3A_90 : vector<5120x128xf32>
    %mul3A_92 = vector.broadcast %mul3A_44 : vector<5120x1xf32> to vector<5120x128xf32>
    %mul3A_93 = arith.mulf %mul3A_91, %mul3A_92 : vector<5120x128xf32>
    %reduce_sum3A_94 = arith.constant dense<0.000000e+00> : vector<128xf32>
    %reduce_sum3A_95 = vector.multi_reduction <add>, %mul3A_93, %reduce_sum3A_94 [0] : vector<5120x128xf32> to vector<128xf32>
    %broadcast_in_dim3A_96 = vector.shape_cast %reduce_sum3A_95 : vector<128xf32> to vector<1x128xf32>
    %add3A_97 = arith.constant 9.99999974E-6 : f32
    %add3A_98 = vector.broadcast %add3A_97 : f32 to vector<1x128xf32>
    %add3A_99 = arith.addf %broadcast_in_dim3A_96, %add3A_98 : vector<1x128xf32>
    %sqrt3A_100 = math.sqrt %add3A_99 : vector<1x128xf32>
    %div3A_101 = vector.broadcast %sqrt3A_100 : vector<1x128xf32> to vector<5120x128xf32>
    %div3A_102 = arith.divf %sub3A_90, %div3A_101 : vector<5120x128xf32>
    %get3A_103 = arith.constant 0 : index
    %get3A_104 = arith.constant 0 : index
    %get3A_105 = vector.load %arg10[%get3A_103, %get3A_104] : memref<1x128xf32, #tpu.memory_space<vmem>>, vector<1x128xf32>
    %mul3A_106 = vector.broadcast %get3A_105 : vector<1x128xf32> to vector<5120x128xf32>
    %mul3A_107 = arith.mulf %div3A_102, %mul3A_106 : vector<5120x128xf32>
    %get3A_108 = arith.constant 0 : index
    %get3A_109 = arith.constant 0 : index
    %get3A_110 = vector.load %arg11[%get3A_108, %get3A_109] : memref<1x128xf32, #tpu.memory_space<vmem>>, vector<1x128xf32>
    %add3A_111 = vector.broadcast %get3A_110 : vector<1x128xf32> to vector<5120x128xf32>
    %add3A_112 = arith.addf %mul3A_107, %add3A_111 : vector<5120x128xf32>
    %max3A_113 = arith.constant 0.000000e+00 : f32
    %max3A_114 = vector.broadcast %max3A_113 : f32 to vector<5120x128xf32>
    %max3A_115 = arith.maximumf %add3A_112, %max3A_114 : vector<5120x128xf32>
    %get3A_116 = arith.constant 0 : index
    %get3A_117 = arith.constant 0 : index
    %get3A_118 = vector.load %arg12[%get3A_116, %get3A_117] : memref<128x1xf32, #tpu.memory_space<vmem>>, vector<128x1xf32>
    %dot_general3A_119 = arith.constant dense<0.000000e+00> : vector<5120x1xf32>
    %dot_general3A_120 = tpu.matmul %max3A_115, %get3A_118, %dot_general3A_119 {dimension_numbers = #tpu.dot_dimension_numbers<[1], [0], [0], [1], [0, 0, 1, 1], [], []>, transpose_lhs_hint = false} : vector<5120x128xf32>, vector<128x1xf32>, vector<5120x1xf32> -> vector<5120x1xf32>
    %get3A_121 = arith.constant 0 : index
    %get3A_122 = arith.constant 0 : index
    %get3A_123 = vector.load %arg13[%get3A_121, %get3A_122] : memref<1x1xf32, #tpu.memory_space<vmem>>, vector<1x1xf32>
    %add3A_124 = vector.broadcast %get3A_123 : vector<1x1xf32> to vector<5120x1xf32>
    %add3A_125 = arith.addf %dot_general3A_120, %add3A_124 : vector<5120x1xf32>
    %logistic3A = arith.negf %add3A_125 : vector<5120x1xf32>
    %logistic3A_126 = math.exp %logistic3A : vector<5120x1xf32>
    %logistic3A_127 = arith.constant 1.000000e+00 : f32
    %logistic3A_128 = vector.broadcast %logistic3A_127 : f32 to vector<5120x1xf32>
    %logistic3A_129 = arith.addf %logistic3A_128, %logistic3A_126 : vector<5120x1xf32>
    %logistic3A_130 = arith.divf %logistic3A_128, %logistic3A_129 : vector<5120x1xf32>
    %swap3A = arith.constant 0 : index
    %swap3A_131 = arith.constant 0 : index
    %swap3A_132 = vector.load %arg14[%swap3A, %swap3A_131] : memref<5120x1xf32, #tpu.memory_space<vmem>>, vector<5120x1xf32>
    tpu.vector_store %arg14[%swap3A, %swap3A_131], %logistic3A_130 {strides = array<i32>} : memref<5120x1xf32, #tpu.memory_space<vmem>>, vector<5120x1xf32>,
    return
  }
}

</mosaic_0001>

<sc_bundles>
// kernel: kernel.10.cloned.1.call-start
scs
__scs_entry_jumppad:
0x0: {  	(pc) =	sbr.rel $0x88, $3  }
0x1: {  	(tag) =	ssettag $0x0;
	lr =	simm.s32 $0x1  }
0x2: {  	[smem:$0x3F93] =	sst lr;
	_ =	strace $0xD0000000  }
0x3: {  	_ = 	snop  }
0x4: {  	_ = 	snop  }
0x5: {  	_ = 	snop  }
0x6: {  	_ = 	snop  }
0x7: {  	_ = 	snop  }
__scs_overlays_trampoline_lowered:
0x8: {  	[smem:$0x3FA2] =	sst s0  }
0x9: {  	[smem:$0x3FA3] =	sst s1  }
0xa: {  	[smem:$0x3FA4] =	sst s2  }
0xb: {  	[smem:$0x3FA5] =	sst s3  }
0xc: {  	[smem:$0x3FA6] =	sst s4  }
0xd: {  	[smem:$0x3FA7] =	sst s5  }
0xe: {  	[smem:$0x3FA8] =	sst s6  }
0xf: {  	[smem:$0x3FA9] =	sst s7  }
0x10: {  	[smem:$0x3FAA] =	sst s8  }
0x11: {  	[smem:$0x3FAB] =	sst s9;
	s0 =	simm.s32 @!p0 $0x0  }
0x12: {  	s1 =	sld [smem:$0x3F91];
	s0 =	simm.s32 @p0 $0x1  }
0x13: {  	[smem:$0x3FAC] =	sst s0;
	s0 =	simm.s32 @!p1 $0x0  }
0x14: {  	s2 =	sld [smem:$0x3F90];
	s0 =	simm.s32 @p1 $0x1  }
0x15: {  	[smem:$0x3FAD] =	sst s0;
	s0 =	simm.s32 @!p2 $0x0  }
0x16: {  	s3 =	sld [smem:$0x3FDB];
	s0 =	simm.s32 @p2 $0x1  }
0x17: {  	s4 =	simm.s32 $0x1BF5;
	[smem:$0x3FAF] =	sst s0  }
0x18: {  	s0 =	sld [smem:$0x3F92];
	_ =	swait.ge [sflag:s4], $0x0  }
0x19: {  	s7 =	sld [smem:$0x3F93]  }
0x1a: {  	s8 =	sadd.s32 $0xFFFFE003, lr  }
0x1b: {  	s9 =	sadd.s32 $0xFFFFFEF7, lr;
	s5 =	simm.s32 $0xFFFFFFFF;
	p2 =	slt.u32 s8, $0xFFFFF086  }
0x1c: {  	p1 =	slt.u32 s9, $0xF7A;
	s5 =	simm.s32 @!p2 $0x0  }
0x1d: {  	s5 =	simm.s32 @p1 $0x1;
	p0 =	seq.s32 s7, s2  }
0x1e: {  	s7 =	smul.u32 @!p0 $0xF7A, s2;
	p2 =	seq.s32 @!p0 s5, $0x0  }
0x1f: {  	s9 =	smul.u32 $0xF7A, s1;
	s8 =	simm.s32 @!p0 $0x1BF5;
	p2 =	por !p2, p0  }
0x20: {  	[sflag:s8] =	ssyncset.s32 @!p0 $0xFFFFF086;
	s6 =	sadd.s32 @!p0 s3, s7;
	s7 =	simm.s32 @!p0 $0x108  }
0x21: {  	s3 =	sadd.s32 s3, s9;
	s6 =	sadd.s32 @!p0 $0x88, s6;
	s7 =	simm.s32 @p2 $0x1082  }
0x22: {  	[simem:s7], [sflag:s8] =	dma.local @!p0 [hbm:s6], $0xF7A  }
0x23: {  	s9 =	sor.u32 $0xD0000000, s2;
	s6 =	simm.s32 $0x108;
	_ =	swait.ge @!p0 [sflag:s8], $0x0  }
0x24: {  	s3 =	sadd.s32 $0x88, s3;
	s6 =	simm.s32 @!p1 $0x1082;
	[sflag:s4] =	ssyncset.s32 $0xFFFFF086  }
0x25: {  	[simem:s6], [sflag:s4] =	dma.local [hbm:s3], $0xF7A  }
0x26: {  	[smem:$0x3F93] =	sst s1;
	(tag) =	ssettag s2;
	_ =	strace s9  }
0x27: {  	s1 =	sld [smem:$0x3FA3]  }
0x28: {  	s2 =	sld [smem:$0x3FA4]  }
0x29: {  	s4 =	sld [smem:$0x3FA6]  }
0x2a: {  	p0 =	seq.s32 s5, $0x0;
	s5 =	sld [smem:$0x3FA7]  }
0x2b: {  	s6 =	sld [smem:$0x3FA8]  }
0x2c: {  	s7 =	sld [smem:$0x3FA9]  }
0x2d: {  	s3 =	simm.s32 $0x108;
	s8 =	sld [smem:$0x3FAA]  }
0x2e: {  	s3 =	simm.s32 @!p0 $0x1082;
	s9 =	sld [smem:$0x3FAB]  }
0x2f: {  	lr =	sadd.s32 s0, s3;
	s0 =	sld [smem:$0x3FA2]  }
0x30: {  	s3 =	sld [smem:$0x3FA5]  }
0x31: {  	[smem:$0x3FAE] =	sst s10  }
0x32: {  	s10 =	sld [smem:$0x3FAC];
	_ =	sdelay $0x3  }
0x33: {  	p0 =	seq.s32 s10, $0x1;
	s10 =	sld [smem:$0x3FAE];
	_ =	sdelay $0x3  }
0x34: {  	[smem:$0x3FAE] =	sst s10  }
0x35: {  	s10 =	sld [smem:$0x3FAD];
	_ =	sdelay $0x3  }
0x36: {  	p1 =	seq.s32 s10, $0x1;
	s10 =	sld [smem:$0x3FAE];
	_ =	sdelay $0x3  }
0x37: {  	[smem:$0x3FAE] =	sst s10  }
0x38: {  	s10 =	sld [smem:$0x3FAF]  }
0x39: {  	_ = 	snop;
	(pc) =	sbr.ind lr, $3  }
0x3a: {  	_ = 	snop  }
0x3b: {  	_ = 	snop  }
0x3c: {  	p2 =	seq.s32 s10, $0x1;
	s10 =	sld [smem:$0x3FAE]  }
0x3d: {  	_ =	shalt  }
0x3e: {  	_ =	shalt  }
0x3f: {  	_ =	shalt  }
0x40: {  	_ =	shalt  }
0x41: {  	_ =	shalt  }
0x42: {  	_ =	shalt  }
0x43: {  	_ =	shalt  }
0x44: {  	_ =	shalt  }
0x45: {  	_ =	shalt  }
0x46: {  	_ =	shalt  }
0x47: {  	_ =	shalt  }
0x48: {  	_ =	shalt  }
0x49: {  	_ =	shalt  }
0x4a: {  	_ =	shalt  }
0x4b: {  	_ =	shalt  }
0x4c: {  	_ =	shalt  }
0x4d: {  	_ =	shalt  }
0x4e: {  	_ =	shalt  }
0x4f: {  	_ =	shalt  }
0x50: {  	_ =	shalt  }
0x51: {  	_ =	shalt  }
0x52: {  	_ =	shalt  }
0x53: {  	_ =	shalt  }
0x54: {  	_ =	shalt  }
0x55: {  	_ =	shalt  }
0x56: {  	_ =	shalt  }
0x57: {  	_ =	shalt  }
0x58: {  	_ =	shalt  }
0x59: {  	_ =	shalt  }
0x5a: {  	_ =	shalt  }
0x5b: {  	_ =	shalt  }
0x5c: {  	_ =	shalt  }
0x5d: {  	_ =	shalt  }
0x5e: {  	_ =	shalt  }
0x5f: {  	_ =	shalt  }
0x60: {  	_ =	shalt  }
0x61: {  	_ =	shalt  }
0x62: {  	_ =	shalt  }
0x63: {  	_ =	shalt  }
0x64: {  	_ =	shalt  }
0x65: {  	_ =	shalt  }
0x66: {  	_ =	shalt  }
0x67: {  	_ =	shalt  }
0x68: {  	_ =	shalt  }
0x69: {  	_ =	shalt  }
0x6a: {  	_ =	shalt  }
0x6b: {  	_ =	shalt  }
0x6c: {  	_ =	shalt  }
0x6d: {  	_ =	shalt  }
0x6e: {  	_ =	shalt  }
0x6f: {  	_ =	shalt  }
0x70: {  	_ =	shalt  }
0x71: {  	_ =	shalt  }
0x72: {  	_ =	shalt  }
0x73: {  	_ =	shalt  }
0x74: {  	_ =	shalt  }
0x75: {  	_ =	shalt  }
0x76: {  	_ =	shalt  }
0x77: {  	_ =	shalt  }
0x78: {  	_ =	shalt  }
0x79: {  	_ =	shalt  }
0x7a: {  	_ =	shalt  }
0x7b: {  	_ =	shalt  }
0x7c: {  	_ =	shalt  }
0x7d: {  	_ =	shalt  }
0x7e: {  	_ =	shalt  }
0x7f: {  	_ =	shalt  }
0x80: {  	_ =	shalt  }
0x81: {  	_ =	shalt  }
0x82: {  	_ =	shalt  }
0x83: {  	_ =	shalt  }
0x84: {  	_ =	shalt  }
0x85: {  	_ =	shalt  }
0x86: {  	_ =	shalt  }
0x87: {  	_ =	shalt  }
.Lfunc_end0:
.L_simem_size_0:
called_computation.1_lowered:
.L_overlay_start_0:
0x88: {  	s2 =	sld [smem:$0x3FD9]  }
0x89: {  	s3 =	sld [smem:$0x3FFE];
	_ =	sdelay $0x1  }
0x8a: {  	s1 =	srdreg.scid  }
0x8b: {  	s0 =	sand.u32 $0x1, s1  }
0x8c: {  	s16 =	sshll.u32 s0, $0xA;
	s2 =	sadd.s32 s3, s2  }
0x8d: {  	s2 =	sadd.s32 s2, s16  }
0x8e: {  	[smem:$0x3FBA] =	sst s2  }
0x8f: {  	_ = 	snop  }
0x90: {  	(tm) =	ssettm $0x1  }
0x91: {  	s17 =	sld [smem:$0x3FFB];
	_ =	sdelay $0x3  }
0x92: {  	_ =	strace s17  }
0x93: {  	s2 =	sld [smem:$0x3FFC];
	_ =	sdelay $0x3  }
0x94: {  	_ =	strace s2  }
0x95: {  	s2 =	sld [smem:$0x3FFD];
	_ =	sdelay $0x3  }
0x96: {  	_ =	strace s2  }
0x97: {  	_ =	strace $0x8FFFFFFF  }
0x98: {  	s18 =	sld [smem:$0x3FDB];
	_ =	sdelay $0x1  }
0x99: {  	s19 =	simm.s32 $_scs_section_size  }
0x9a: {  	s4 =	simm.s32 $_size__tile_overlayer_lowered;
	s5 =	simm.s32 $_tile_overlayer_lowered  }
0x9b: {  	s22 =	simm.s32 $0x1BFF;
	s21 =	sshll.u32 s5, $0x1;
	s2 =	sadd.s32 s19, s18  }
0x9c: {  	s6 =	simm.s32 $0x0;
	s20 =	sshll.u32 s4, $0x1;
	s4 =	sadd.s32 s21, s2  }
0x9d: {  	[timem:s6], [sflag:s22] =	dma.local [hbm:s4], s20  }
0x9e: {  	_ =	swait.ge [sflag:s22], s20  }
0x9f: {  	s3 =	ssub.s32 $0x0, s20;
	[sflag:s22] =	ssyncset.done $0x0  }
0xa0: {  	[sflag:s22] =	ssyncadd.s32 s3;
	_ =	sdelay $0x1  }
0xa1: {  	s23 =	simm.s32 $0x1B8B  }
0xa2: {  	_ =	swait.ge [sflag:s23], $0x1  }
0xa3: {  	[sflag:s23] =	ssyncset.done $0x0  }
0xa4: {  	s25 =	simm.s32 $0x1B8E;
	s24 =	sld [smem:$0x3FFE];
	[sflag:s23] =	ssyncadd.s32 $0xFFFFFFFF  }
0xa5: {  	s26 =	simm.s32 $execute0_lowered;
	[smem:$0x3FD2] =	sst s25  }
0xa6: {  	s4 =	sshll.u32 s26, $0x1;
	_ =	strace $0x80000049;
	[dreg:$0x1] =	wrdreg $0xFFFFFFFF  }
0xa7: {  	s28 =	simm.s32 $_size_execute0_lowered;
	s2 =	sadd.s32 s2, s4;
	[dreg:$0x0] =	wrdreg $0x0  }
0xa8: {  	s4 =	sshll.u32 s28, $0x1;
	[dreg:$0x2] =	wrdreg s2  }
0xa9: {  	[dreg:$0x3] =	wrdreg s4  }
0xaa: {  	[dreg:$0x4] =	wrdreg $0xC0  }
0xab: {  	_ =	task [dreg:s6], $0x5FFFF  }
0xac: {  	[dreg:$0x1] =	wrdreg $0xFFFFFFFF  }
0xad: {  	[dreg:$0x0] =	wrdreg $0x60  }
0xae: {  	[dreg:$0x2] =	wrdreg s24  }
0xaf: {  	[dreg:$0x3] =	wrdreg $0x148000  }
0xb0: {  	[dreg:$0x4] =	wrdreg $0x9  }
0xb1: {  	_ =	task.clear_ibuf [dreg:s6], $0x5FFFF;
	_ =	strace $0x90000049  }
0xb2: {  	s29 =	simm.s32 $0x9;
	_ =	strace $0x8000004B  }
0xb3: {  	_ =	swait.ge [sflag:s29], $0x1  }
0xb4: {  	[sflag:s29] =	ssyncadd.s32 $0xFFFFFFFF  }
0xb5: {  	_ =	strace $0x9000004B  }
0xb6: {  	_ =	sfence  }
0xb7: {  	s30 =	sld [smem:$0x0];
	_ =	sdelay $0x2  }
0xb8: {  	s31 =	sshll.u32 s1, $0xD;
	s1 =	sshrl.u32 s1, $0x2  }
0xb9: {  	s3 =	sand.u32 $0x4000, s31;
	s1 =	sadd.s32 s1, s30  }
0xba: {  	s0 =	sor.u32 s3, s0;
	s1 =	sshll.u32 s1, $0x11  }
0xbb: {  	s0 =	sor.u32 s1, s0  }
0xbc: {  	s0 =	sadd.s32 $0x8F2B, s0  }
0xbd: {  	[sflag:s0] =	ssyncadd.remote.s32 $0x1  }
0xbe: {  	_ =	sfence.sel $0xFFFF  }
0xbf: {  	[dreg:$0x0] =	wrdreg $0xFFFFFFFF;
	(pc) =	sbr.abs _section_cstart, $3  }
0xc0: {  	[dreg:$0x1] =	wrdreg $0xFFFFFFFF  }
0xc1: {  	_ =	task.clear_ibuf [dreg:s6], $0x2FFFF;
	_ =	strace $0x9FFFFFFF  }
0xc2: {  	(tm) =	ssettm $0x7FFFFFFF  }
0xc3: {  	_ =	shalt  }
tec
execute0_lowered:
.L_overlay_start_1:
0x0: {  	(tag) =	ssettag $0x1  }
0x1: {  	s0 =	rddreg [dreg:$0x0]  }
0x2: {  	s1 =	rddreg [dreg:$0x1]  }
0x3: {  	s3 =	simm.s32 $0x0;
	s2 =	srdreg.scid;
	s12 =	stileid.u32  }
0x4: {  	s14 =	simm.s32 $0x50;
	s15 =	simm.s32 $0x8000;
	s17 =	simm.s32 $0xA800  }
0x5: {  	s19 =	simm.s32 $0xD000;
	s21 =	simm.s32 $0xF800;
	s28 =	simm.s32 $0x4  }
0x6: {  	s29 =	simm.s32 $0x5;
	s30 =	simm.s32 $0x7C00;
	s31 =	simm.s32 $0x7C80  }
0x7: {  	s16 =	simm.s32 $0x0;
	[smem:$0x7FF] =	sst s3;
	s6 =	smul.u32 $0x1400, s12  }
0x8: {  	s2 =	sand.u32 $0x1, s2;
	s5 =	sshll.u32 s12, $0xB;
	s9 =	smul.u32 $0x28000, s12  }
0x9: {  	s26 =	sshll.u32 s12, $0x6;
	s4 =	sshll.u32 s2, $0xF;
	_ =	strace $0x8000004A  }
0xa: {  	s7 =	smul.u32 $0x14000, s2;
	s2 =	ssub.s32 $0x2, s2;
	s12 =	sor.u32 $0x1C06, s26  }
0xb: {  	s26 =	simm.s32 $0x3;
	s5 =	sor.u32 s5, s4;
	s4 =	sadd.s32 $0x21A00, s0  }
0xc: {  	s24 =	sshrl.u32 s2, $0x1;
	s10 =	sadd.s32 s6, s0;
	s25 =	sshrl.u32 s9, $0x2  }
0xd: {  	s8 =	sadd.s32 s5, s0;
	s23 =	sadd.s32 s6, s7;
	s2 =	ssub.s32 s2, s24  }
0xe: {  	s11 =	sadd.s32 s25, s1;
	s7 =	sadd.s32 $0x35A00, s10;
	s10 =	simm.s32 $0x6  }
0xf: {  	s24 =	simm.s32 $0x1;
	s25 =	simm.s32 $0x2;
	s0 =	sadd.s32 s23, s0  }
0x10: {  	s5 =	sadd.s32 $0x11A00, s8;
	s6 =	sadd.s32 $0x1A00, s8;
	s9 =	smax.u32 s2, $0x1  }
0x11: {  	s13 =	sshrl.u32 s11, $0x3;
	s23 =	simm.s32 $0x12000;
	s2 =	simm.s32 $0x7D80  }
0x12: {  	s11 =	simm.s32 $0x7E00;
	s8 =	sadd.s32 $0x49A00, s0;
	s0 =	simm.s32 $0x7D00  }
.LBB2_1:
0x13: {  	[tilespmem:s3], [sflag:$0x6] =	stream.linear.gather [hbm4b:s5+s3], $0x3E80, $0x38;
	[tilespmem:$0x1E800] =	vst v63  }
0x14: {  	_ =	swait.ge [sflag:s10], $0x3E80  }
0x15: {  	[sflag:s10] =	ssyncset.done $0x0  }
0x16: {  	s18 =	simm.s32 $0x4000;
	[sflag:s10] =	ssyncadd.s32 $0xFFFFC180  }
0x17: {  	[tilespmem:s18], [sflag:$0x6] =	stream.linear.gather [hbm4b:s6+s3], $0x3E80, $0x38;
	[tilespmem:$0x1E800] =	vst v63  }
0x18: {  	_ =	swait.ge [sflag:s10], $0x3E80  }
0x19: {  	[sflag:s10] =	ssyncset.done $0x0  }
0x1a: {  	[sflag:s10] =	ssyncadd.s32 $0xFFFFC180  }
0x1b: {  	[spmem:s13], [sflag:s12] =	dma.local [hbm:s7], $0x1400  }
0x1c: {  	_ =	swait.ge [sflag:s10], $0x1400  }
0x1d: {  	[sflag:s10] =	ssyncset.done $0x0  }
0x1e: {  	[sflag:s10] =	ssyncadd.s32 $0xFFFFEC00  }
0x1f: {  	[bflag:$0x0] =	sbarrier.arrive $0xFFFF  }
0x20: {  	[tilespmem:s15], [sflag:$0x1] =	stream.indirect.gather [hbm4b:s4+s14], $0x80, s3, s14, $0xb8;
	[tilespmem:$0x1E800] =	vst v63  }
0x21: {  	s22 =	simm.s32 $0x80  }
0x22: {  	[tilespmem:s17], [sflag:$0x2] =	stream.indirect.gather [hbm4b:s4+s14], $0x80, s22, s14, $0xb8;
	[tilespmem:$0x1E800] =	vst v63  }
0x23: {  	s20 =	simm.s32 $0x100  }
0x24: {  	[tilespmem:s19], [sflag:$0x3] =	stream.indirect.gather [hbm4b:s4+s14], $0x80, s20, s14, $0xb8;
	[tilespmem:$0x1E800] =	vst v63  }
0x25: {  	s22 =	simm.s32 $0x180  }
0x26: {  	[tilespmem:s21], [sflag:$0x4] =	stream.indirect.gather [hbm4b:s4+s14], $0x80, s22, s14, $0xb8;
	[tilespmem:$0x1E800] =	vst v63  }
0x27: {  	s20 =	simm.s32 $0x200  }
0x28: {  	[tilespmem:s23], [sflag:$0x5] =	stream.indirect.gather [hbm4b:s4+s14], $0x80, s20, s14, $0xb8;
	[tilespmem:$0x1E800] =	vst v63  }
0x29: {  	_ =	swait.ge [sflag:s24], $0x2800  }
0x2a: {  	[sflag:s24] =	ssyncset.done $0x0  }
0x2b: {  	s22 =	simm.s32 $0x4000;
	[sflag:s24] =	ssyncadd.s32 $0xFFFFD800  }
0x2c: {  	[spmem:s1] =	stream.indirect.scatter.add.f32 [tilespmem:s15], [sflag:$0x6], $0x80, s22, s14, $0xb8;
	[tilespmem:$0x1E800] =	vst v63  }
0x2d: {  	_ =	swait.ge [sflag:s10], $0x2800  }
0x2e: {  	[sflag:s10] =	ssyncset.done $0x0  }
0x2f: {  	s20 =	simm.s32 $0x280;
	[sflag:s10] =	ssyncadd.s32 $0xFFFFD800  }
0x30: {  	[tilespmem:s15], [sflag:$0x1] =	stream.indirect.gather [hbm4b:s4+s14], $0x80, s20, s14, $0xb8;
	[tilespmem:$0x1E800] =	vst v63  }
0x31: {  	_ =	swait.ge [sflag:s25], $0x2800  }
0x32: {  	[sflag:s25] =	ssyncset.done $0x0  }
0x33: {  	s22 =	simm.s32 $0x4080;
	[sflag:s25] =	ssyncadd.s32 $0xFFFFD800  }
0x34: {  	[spmem:s1] =	stream.indirect.scatter.add.f32 [tilespmem:s17], [sflag:$0x6], $0x80, s22, s14, $0xb8;
	[tilespmem:$0x1E800] =	vst v63  }
0x35: {  	_ =	swait.ge [sflag:s10], $0x2800  }
0x36: {  	[sflag:s10] =	ssyncset.done $0x0  }
0x37: {  	s20 =	simm.s32 $0x300;
	[sflag:s10] =	ssyncadd.s32 $0xFFFFD800  }
0x38: {  	[tilespmem:s17], [sflag:$0x2] =	stream.indirect.gather [hbm4b:s4+s14], $0x80, s20, s14, $0xb8;
	[tilespmem:$0x1E800] =	vst v63  }
0x39: {  	_ =	swait.ge [sflag:s26], $0x2800  }
0x3a: {  	[sflag:s26] =	ssyncset.done $0x0  }
0x3b: {  	s22 =	simm.s32 $0x4100;
	[sflag:s26] =	ssyncadd.s32 $0xFFFFD800  }
0x3c: {  	[spmem:s1] =	stream.indirect.scatter.add.f32 [tilespmem:s19], [sflag:$0x6], $0x80, s22, s14, $0xb8;
	[tilespmem:$0x1E800] =	vst v63  }
0x3d: {  	_ =	swait.ge [sflag:s10], $0x2800  }
0x3e: {  	[sflag:s10] =	ssyncset.done $0x0  }
0x3f: {  	s20 =	simm.s32 $0x380;
	[sflag:s10] =	ssyncadd.s32 $0xFFFFD800  }
0x40: {  	[tilespmem:s19], [sflag:$0x3] =	stream.indirect.gather [hbm4b:s4+s14], $0x80, s20, s14, $0xb8;
	[tilespmem:$0x1E800] =	vst v63  }
0x41: {  	_ =	swait.ge [sflag:s28], $0x2800  }
0x42: {  	[sflag:s28] =	ssyncset.done $0x0  }
0x43: {  	s22 =	simm.s32 $0x4180;
	[sflag:s28] =	ssyncadd.s32 $0xFFFFD800  }
0x44: {  	[spmem:s1] =	stream.indirect.scatter.add.f32 [tilespmem:s21], [sflag:$0x6], $0x80, s22, s14, $0xb8;
	[tilespmem:$0x1E800] =	vst v63  }
0x45: {  	_ =	swait.ge [sflag:s10], $0x2800  }
0x46: {  	[sflag:s10] =	ssyncset.done $0x0  }
0x47: {  	s20 =	simm.s32 $0x400;
	[sflag:s10] =	ssyncadd.s32 $0xFFFFD800  }
0x48: {  	[tilespmem:s21], [sflag:$0x4] =	stream.indirect.gather [hbm4b:s4+s14], $0x80, s20, s14, $0xb8;
	[tilespmem:$0x1E800] =	vst v63  }
0x49: {  	_ =	swait.ge [sflag:s29], $0x2800  }
0x4a: {  	[sflag:s29] =	ssyncset.done $0x0  }
0x4b: {  	s22 =	simm.s32 $0x4200;
	[sflag:s29] =	ssyncadd.s32 $0xFFFFD800  }
0x4c: {  	[spmem:s1] =	stream.indirect.scatter.add.f32 [tilespmem:s23], [sflag:$0x6], $0x80, s22, s14, $0xb8;
	[tilespmem:$0x1E800] =	vst v63  }
0x4d: {  	_ =	swait.ge [sflag:s10], $0x2800  }
0x4e: {  	[sflag:s10] =	ssyncset.done $0x0  }
0x4f: {  	s18 =	simm.s32 $0xA00;
	s20 =	simm.s32 $0x480;
	[sflag:s10] =	ssyncadd.s32 $0xFFFFD800  }
.LBB2_2:
0x50: {  	[tilespmem:s23], [sflag:$0x5] =	stream.indirect.gather [hbm4b:s4+s14], $0x80, s20, s14, $0xb8;
	[tilespmem:$0x1E800] =	vst v63  }
0x51: {  	s20 =	smov.u32 s18  }
0x52: {  	p0 =	sne.s32 s18, $0xE600;
	s18 =	sadd.s32 $0xA00, s18;
	_ =	swait.ge [sflag:s24], $0x2800  }
0x53: {  	s20 =	sshra.s32 s20, $0x2;
	[sflag:s24] =	ssyncset.done $0x0  }
0x54: {  	s22 =	sadd.s32 $0x4000, s20;
	[sflag:s24] =	ssyncadd.s32 $0xFFFFD800  }
0x55: {  	[spmem:s1] =	stream.indirect.scatter.add.f32 [tilespmem:s15], [sflag:$0x6], $0x80, s22, s14, $0xb8;
	[tilespmem:$0x1E800] =	vst v63  }
0x56: {  	_ =	swait.ge [sflag:s10], $0x2800  }
0x57: {  	[sflag:s10] =	ssyncset.done $0x0  }
0x58: {  	s22 =	sadd.s32 $0x280, s20;
	[sflag:s10] =	ssyncadd.s32 $0xFFFFD800  }
0x59: {  	[tilespmem:s15], [sflag:$0x1] =	stream.indirect.gather [hbm4b:s4+s14], $0x80, s22, s14, $0xb8;
	[tilespmem:$0x1E800] =	vst v63  }
0x5a: {  	_ =	swait.ge [sflag:s25], $0x2800  }
0x5b: {  	[sflag:s25] =	ssyncset.done $0x0  }
0x5c: {  	s22 =	sadd.s32 $0x4080, s20;
	[sflag:s25] =	ssyncadd.s32 $0xFFFFD800  }
0x5d: {  	[spmem:s1] =	stream.indirect.scatter.add.f32 [tilespmem:s17], [sflag:$0x6], $0x80, s22, s14, $0xb8;
	[tilespmem:$0x1E800] =	vst v63  }
0x5e: {  	_ =	swait.ge [sflag:s10], $0x2800  }
0x5f: {  	[sflag:s10] =	ssyncset.done $0x0  }
0x60: {  	s22 =	sadd.s32 $0x300, s20;
	[sflag:s10] =	ssyncadd.s32 $0xFFFFD800  }
0x61: {  	[tilespmem:s17], [sflag:$0x2] =	stream.indirect.gather [hbm4b:s4+s14], $0x80, s22, s14, $0xb8;
	[tilespmem:$0x1E800] =	vst v63  }
0x62: {  	_ =	swait.ge [sflag:s26], $0x2800  }
0x63: {  	[sflag:s26] =	ssyncset.done $0x0  }
0x64: {  	s22 =	sadd.s32 $0x4100, s20;
	[sflag:s26] =	ssyncadd.s32 $0xFFFFD800  }
0x65: {  	[spmem:s1] =	stream.indirect.scatter.add.f32 [tilespmem:s19], [sflag:$0x6], $0x80, s22, s14, $0xb8;
	[tilespmem:$0x1E800] =	vst v63  }
0x66: {  	_ =	swait.ge [sflag:s10], $0x2800  }
0x67: {  	[sflag:s10] =	ssyncset.done $0x0  }
0x68: {  	s22 =	sadd.s32 $0x380, s20;
	[sflag:s10] =	ssyncadd.s32 $0xFFFFD800  }
0x69: {  	[tilespmem:s19], [sflag:$0x3] =	stream.indirect.gather [hbm4b:s4+s14], $0x80, s22, s14, $0xb8;
	[tilespmem:$0x1E800] =	vst v63  }
0x6a: {  	_ =	swait.ge [sflag:s28], $0x2800  }
0x6b: {  	[sflag:s28] =	ssyncset.done $0x0  }
0x6c: {  	s22 =	sadd.s32 $0x4180, s20;
	[sflag:s28] =	ssyncadd.s32 $0xFFFFD800  }
0x6d: {  	[spmem:s1] =	stream.indirect.scatter.add.f32 [tilespmem:s21], [sflag:$0x6], $0x80, s22, s14, $0xb8;
	[tilespmem:$0x1E800] =	vst v63  }
0x6e: {  	_ =	swait.ge [sflag:s10], $0x2800  }
0x6f: {  	[sflag:s10] =	ssyncset.done $0x0  }
0x70: {  	s22 =	sadd.s32 $0x400, s20;
	[sflag:s10] =	ssyncadd.s32 $0xFFFFD800  }
0x71: {  	[tilespmem:s21], [sflag:$0x4] =	stream.indirect.gather [hbm4b:s4+s14], $0x80, s22, s14, $0xb8;
	[tilespmem:$0x1E800] =	vst v63  }
0x72: {  	_ =	swait.ge [sflag:s29], $0x2800  }
0x73: {  	[sflag:s29] =	ssyncset.done $0x0  }
.Ltmp0:
0x74: {  	s22 =	sadd.s32 $0x4200, s20;
	[sflag:s29] =	ssyncadd.s32 $0xFFFFD800;
	(pc) =	sbr.rel @p0 .LBB2_2-.Ltmp0, $4  }
0x75: {  	[spmem:s1] =	stream.indirect.scatter.add.f32 [tilespmem:s23], [sflag:$0x6], $0x80, s22, s14, $0xb8;
	[tilespmem:$0x1E800] =	vst v63  }
0x76: {  	_ =	swait.ge [sflag:s10], $0x2800  }
0x77: {  	[sflag:s10] =	ssyncset.done $0x0  }
0x78: {  	s20 =	sadd.s32 $0x480, s20;
	[sflag:s10] =	ssyncadd.s32 $0xFFFFD800  }
0x79: {  	[tilespmem:s23], [sflag:$0x5] =	stream.indirect.gather [hbm4b:s4+s14], $0x80, s20, s14, $0xb8;
	[tilespmem:$0x1E800] =	vst v63  }
0x7a: {  	_ =	swait.ge [sflag:s24], $0x2800  }
0x7b: {  	[sflag:s24] =	ssyncset.done $0x0  }
0x7c: {  	[sflag:s24] =	ssyncadd.s32 $0xFFFFD800  }
0x7d: {  	[spmem:s1] =	stream.indirect.scatter.add.f32 [tilespmem:s15], [sflag:$0x6], $0x80, s30, s14, $0xb8;
	[tilespmem:$0x1E800] =	vst v63  }
0x7e: {  	_ =	swait.ge [sflag:s10], $0x2800  }
0x7f: {  	[sflag:s10] =	ssyncset.done $0x0  }
0x80: {  	[sflag:s10] =	ssyncadd.s32 $0xFFFFD800  }
0x81: {  	_ =	swait.ge [sflag:s25], $0x2800  }
0x82: {  	[sflag:s25] =	ssyncset.done $0x0  }
0x83: {  	[sflag:s25] =	ssyncadd.s32 $0xFFFFD800  }
0x84: {  	[spmem:s1] =	stream.indirect.scatter.add.f32 [tilespmem:s17], [sflag:$0x6], $0x80, s31, s14, $0xb8;
	[tilespmem:$0x1E800] =	vst v63  }
0x85: {  	_ =	swait.ge [sflag:s10], $0x2800  }
0x86: {  	[sflag:s10] =	ssyncset.done $0x0  }
0x87: {  	[sflag:s10] =	ssyncadd.s32 $0xFFFFD800  }
0x88: {  	_ =	swait.ge [sflag:s26], $0x2800  }
0x89: {  	[sflag:s26] =	ssyncset.done $0x0  }
0x8a: {  	[sflag:s26] =	ssyncadd.s32 $0xFFFFD800  }
0x8b: {  	[spmem:s1] =	stream.indirect.scatter.add.f32 [tilespmem:s19], [sflag:$0x6], $0x80, s0, s14, $0xb8;
	[tilespmem:$0x1E800] =	vst v63  }
0x8c: {  	_ =	swait.ge [sflag:s10], $0x2800  }
0x8d: {  	[sflag:s10] =	ssyncset.done $0x0  }
0x8e: {  	[sflag:s10] =	ssyncadd.s32 $0xFFFFD800  }
0x8f: {  	_ =	swait.ge [sflag:s28], $0x2800  }
0x90: {  	[sflag:s28] =	ssyncset.done $0x0  }
0x91: {  	[sflag:s28] =	ssyncadd.s32 $0xFFFFD800  }
0x92: {  	[spmem:s1] =	stream.indirect.scatter.add.f32 [tilespmem:s21], [sflag:$0x6], $0x80, s2, s14, $0xb8;
	[tilespmem:$0x1E800] =	vst v63  }
0x93: {  	_ =	swait.ge [sflag:s10], $0x2800  }
0x94: {  	[sflag:s10] =	ssyncset.done $0x0  }
0x95: {  	[sflag:s10] =	ssyncadd.s32 $0xFFFFD800  }
0x96: {  	_ =	swait.ge [sflag:s29], $0x2800  }
0x97: {  	[sflag:s29] =	ssyncset.done $0x0  }
0x98: {  	[sflag:s29] =	ssyncadd.s32 $0xFFFFD800  }
0x99: {  	[spmem:s1] =	stream.indirect.scatter.add.f32 [tilespmem:s23], [sflag:$0x6], $0x80, s11, s14, $0xb8;
	[tilespmem:$0x1E800] =	vst v63  }
0x9a: {  	_ =	swait.ge [sflag:s10], $0x2800  }
0x9b: {  	s16 =	sadd.s32 $0x1, s16;
	[sflag:s10] =	ssyncset.done $0x0  }
0x9c: {  	p0 =	sne.s32 s16, s9;
	[sflag:s10] =	ssyncadd.s32 $0xFFFFD800  }
.Ltmp1:
0x9d: {  	[bflag:$0x0] =	sbarrier.arrive $0xFFFF;
	(pc) =	sbr.rel @p0 .LBB2_1-.Ltmp1, $4  }
0x9e: {  	[hbm:s8], [sflag:s12] =	dma.local [spmem:s13], $0x1400  }
0x9f: {  	_ =	swait.ge [sflag:s10], $0x1400  }
0xa0: {  	[sflag:s10] =	ssyncset.done $0x0  }
0xa1: {  	[sflag:s10] =	ssyncadd.s32 $0xFFFFEC00  }
0xa2: {  	_ =	sfence.sel $0x180000  }
0xa3: {  	[bflag:$0x0] =	sbarrier.arrive $0xFFFF  }
0xa4: {  	_ =	strace $0x9000004A  }
0xa5: {  	s0 =	stileid.u32;
	[bflag:$0x2] =	sbarrier.arrive $0xFFFF  }
0xa6: {  	p0 =	sne.s32 s0, $0x0;
	s0 =	rddreg [dreg:$0x2]  }
0xa7: {  	s0 =	sadd.s32 @!p0 $0x100000, s0  }
0xa8: {  	[sflag:s0] =	ssyncadd.tile.s32 @!p0 $0x1;
	_ =	shalt  }
.Lfunc_end2:
_tile_overlayer_lowered:
.L_overlay_start_2:
0xa9: {  	(tag) =	ssettag $0x2  }
0xaa: {  	s0 =	rddreg [dreg:$0x0];
	s2 =	stileid.u32  }
0xab: {  	s1 =	rddreg [dreg:$0x1];
	p0 =	sne.s32 s2, $0x0  }
0xac: {  	s3 =	rddreg [dreg:$0x2];
	[bflag:$0x3] =	sbarrier.arrive $0xFFFF;
	s2 =	simm.s32 @!p0 $0x1C06  }
0xad: {  	[timem:s3], [sflag:s2] =	dma.local @!p0 [hbm:s0], s1  }
0xae: {  	s0 =	simm.s32 @!p0 $0x6  }
0xaf: {  	_ =	swait.ge @!p0 [sflag:s0], s1  }
0xb0: {  	s1 =	ssub.s32 @!p0 $0x0, s1;
	[sflag:s0] =	ssyncset.done @!p0 $0x0  }
0xb1: {  	[sflag:s0] =	ssyncadd.s32 @!p0 s1  }
0xb2: {  	[bflag:$0x3] =	sbarrier.arrive $0xFFFF  }
0xb3: {  	_ =	shalt  }

// kernel: kernel.13.cloned.1.call-start
scs
__scs_entry_jumppad:
0x0: {  	(pc) =	sbr.rel $0x88, $3  }
0x1: {  	(tag) =	ssettag $0x0;
	lr =	simm.s32 $0x1  }
0x2: {  	[smem:$0x3F93] =	sst lr;
	_ =	strace $0xD0000000  }
0x3: {  	_ = 	snop  }
0x4: {  	_ = 	snop  }
0x5: {  	_ = 	snop  }
0x6: {  	_ = 	snop  }
0x7: {  	_ = 	snop  }
__scs_overlays_trampoline_lowered:
0x8: {  	[smem:$0x3FA2] =	sst s0  }
0x9: {  	[smem:$0x3FA3] =	sst s1  }
0xa: {  	[smem:$0x3FA4] =	sst s2  }
0xb: {  	[smem:$0x3FA5] =	sst s3  }
0xc: {  	[smem:$0x3FA6] =	sst s4  }
0xd: {  	[smem:$0x3FA7] =	sst s5  }
0xe: {  	[smem:$0x3FA8] =	sst s6  }
0xf: {  	[smem:$0x3FA9] =	sst s7  }
0x10: {  	[smem:$0x3FAA] =	sst s8  }
0x11: {  	[smem:$0x3FAB] =	sst s9;
	s0 =	simm.s32 @!p0 $0x0  }
0x12: {  	s1 =	sld [smem:$0x3F91];
	s0 =	simm.s32 @p0 $0x1  }
0x13: {  	[smem:$0x3FAC] =	sst s0;
	s0 =	simm.s32 @!p1 $0x0  }
0x14: {  	s2 =	sld [smem:$0x3F90];
	s0 =	simm.s32 @p1 $0x1  }
0x15: {  	[smem:$0x3FAD] =	sst s0;
	s0 =	simm.s32 @!p2 $0x0  }
0x16: {  	s3 =	sld [smem:$0x3FDB];
	s0 =	simm.s32 @p2 $0x1  }
0x17: {  	s4 =	simm.s32 $0x1BF5;
	[smem:$0x3FAF] =	sst s0  }
0x18: {  	s0 =	sld [smem:$0x3F92];
	_ =	swait.ge [sflag:s4], $0x0  }
0x19: {  	s7 =	sld [smem:$0x3F93]  }
0x1a: {  	s8 =	sadd.s32 $0xFFFFE003, lr  }
0x1b: {  	s9 =	sadd.s32 $0xFFFFFEF7, lr;
	s5 =	simm.s32 $0xFFFFFFFF;
	p2 =	slt.u32 s8, $0xFFFFF086  }
0x1c: {  	p1 =	slt.u32 s9, $0xF7A;
	s5 =	simm.s32 @!p2 $0x0  }
0x1d: {  	s5 =	simm.s32 @p1 $0x1;
	p0 =	seq.s32 s7, s2  }
0x1e: {  	s7 =	smul.u32 @!p0 $0xF7A, s2;
	p2 =	seq.s32 @!p0 s5, $0x0  }
0x1f: {  	s9 =	smul.u32 $0xF7A, s1;
	s8 =	simm.s32 @!p0 $0x1BF5;
	p2 =	por !p2, p0  }
0x20: {  	[sflag:s8] =	ssyncset.s32 @!p0 $0xFFFFF086;
	s6 =	sadd.s32 @!p0 s3, s7;
	s7 =	simm.s32 @!p0 $0x108  }
0x21: {  	s3 =	sadd.s32 s3, s9;
	s6 =	sadd.s32 @!p0 $0x88, s6;
	s7 =	simm.s32 @p2 $0x1082  }
0x22: {  	[simem:s7], [sflag:s8] =	dma.local @!p0 [hbm:s6], $0xF7A  }
0x23: {  	s9 =	sor.u32 $0xD0000000, s2;
	s6 =	simm.s32 $0x108;
	_ =	swait.ge @!p0 [sflag:s8], $0x0  }
0x24: {  	s3 =	sadd.s32 $0x88, s3;
	s6 =	simm.s32 @!p1 $0x1082;
	[sflag:s4] =	ssyncset.s32 $0xFFFFF086  }
0x25: {  	[simem:s6], [sflag:s4] =	dma.local [hbm:s3], $0xF7A  }
0x26: {  	[smem:$0x3F93] =	sst s1;
	(tag) =	ssettag s2;
	_ =	strace s9  }
0x27: {  	s1 =	sld [smem:$0x3FA3]  }
0x28: {  	s2 =	sld [smem:$0x3FA4]  }
0x29: {  	s4 =	sld [smem:$0x3FA6]  }
0x2a: {  	p0 =	seq.s32 s5, $0x0;
	s5 =	sld [smem:$0x3FA7]  }
0x2b: {  	s6 =	sld [smem:$0x3FA8]  }
0x2c: {  	s7 =	sld [smem:$0x3FA9]  }
0x2d: {  	s3 =	simm.s32 $0x108;
	s8 =	sld [smem:$0x3FAA]  }
0x2e: {  	s3 =	simm.s32 @!p0 $0x1082;
	s9 =	sld [smem:$0x3FAB]  }
0x2f: {  	lr =	sadd.s32 s0, s3;
	s0 =	sld [smem:$0x3FA2]  }
0x30: {  	s3 =	sld [smem:$0x3FA5]  }
0x31: {  	[smem:$0x3FAE] =	sst s10  }
0x32: {  	s10 =	sld [smem:$0x3FAC];
	_ =	sdelay $0x3  }
0x33: {  	p0 =	seq.s32 s10, $0x1;
	s10 =	sld [smem:$0x3FAE];
	_ =	sdelay $0x3  }
0x34: {  	[smem:$0x3FAE] =	sst s10  }
0x35: {  	s10 =	sld [smem:$0x3FAD];
	_ =	sdelay $0x3  }
0x36: {  	p1 =	seq.s32 s10, $0x1;
	s10 =	sld [smem:$0x3FAE];
	_ =	sdelay $0x3  }
0x37: {  	[smem:$0x3FAE] =	sst s10  }
0x38: {  	s10 =	sld [smem:$0x3FAF]  }
0x39: {  	_ = 	snop;
	(pc) =	sbr.ind lr, $3  }
0x3a: {  	_ = 	snop  }
0x3b: {  	_ = 	snop  }
0x3c: {  	p2 =	seq.s32 s10, $0x1;
	s10 =	sld [smem:$0x3FAE]  }
0x3d: {  	_ =	shalt  }
0x3e: {  	_ =	shalt  }
0x3f: {  	_ =	shalt  }
0x40: {  	_ =	shalt  }
0x41: {  	_ =	shalt  }
0x42: {  	_ =	shalt  }
0x43: {  	_ =	shalt  }
0x44: {  	_ =	shalt  }
0x45: {  	_ =	shalt  }
0x46: {  	_ =	shalt  }
0x47: {  	_ =	shalt  }
0x48: {  	_ =	shalt  }
0x49: {  	_ =	shalt  }
0x4a: {  	_ =	shalt  }
0x4b: {  	_ =	shalt  }
0x4c: {  	_ =	shalt  }
0x4d: {  	_ =	shalt  }
0x4e: {  	_ =	shalt  }
0x4f: {  	_ =	shalt  }
0x50: {  	_ =	shalt  }
0x51: {  	_ =	shalt  }
0x52: {  	_ =	shalt  }
0x53: {  	_ =	shalt  }
0x54: {  	_ =	shalt  }
0x55: {  	_ =	shalt  }
0x56: {  	_ =	shalt  }
0x57: {  	_ =	shalt  }
0x58: {  	_ =	shalt  }
0x59: {  	_ =	shalt  }
0x5a: {  	_ =	shalt  }
0x5b: {  	_ =	shalt  }
0x5c: {  	_ =	shalt  }
0x5d: {  	_ =	shalt  }
0x5e: {  	_ =	shalt  }
0x5f: {  	_ =	shalt  }
0x60: {  	_ =	shalt  }
0x61: {  	_ =	shalt  }
0x62: {  	_ =	shalt  }
0x63: {  	_ =	shalt  }
0x64: {  	_ =	shalt  }
0x65: {  	_ =	shalt  }
0x66: {  	_ =	shalt  }
0x67: {  	_ =	shalt  }
0x68: {  	_ =	shalt  }
0x69: {  	_ =	shalt  }
0x6a: {  	_ =	shalt  }
0x6b: {  	_ =	shalt  }
0x6c: {  	_ =	shalt  }
0x6d: {  	_ =	shalt  }
0x6e: {  	_ =	shalt  }
0x6f: {  	_ =	shalt  }
0x70: {  	_ =	shalt  }
0x71: {  	_ =	shalt  }
0x72: {  	_ =	shalt  }
0x73: {  	_ =	shalt  }
0x74: {  	_ =	shalt  }
0x75: {  	_ =	shalt  }
0x76: {  	_ =	shalt  }
0x77: {  	_ =	shalt  }
0x78: {  	_ =	shalt  }
0x79: {  	_ =	shalt  }
0x7a: {  	_ =	shalt  }
0x7b: {  	_ =	shalt  }
0x7c: {  	_ =	shalt  }
0x7d: {  	_ =	shalt  }
0x7e: {  	_ =	shalt  }
0x7f: {  	_ =	shalt  }
0x80: {  	_ =	shalt  }
0x81: {  	_ =	shalt  }
0x82: {  	_ =	shalt  }
0x83: {  	_ =	shalt  }
0x84: {  	_ =	shalt  }
0x85: {  	_ =	shalt  }
0x86: {  	_ =	shalt  }
0x87: {  	_ =	shalt  }
.Lfunc_end0:
.L_simem_size_0:
called_computation.2_lowered:
.L_overlay_start_0:
0x88: {  	s2 =	sld [smem:$0x3FD9]  }
0x89: {  	s3 =	sld [smem:$0x3FFE];
	_ =	sdelay $0x1  }
0x8a: {  	s1 =	srdreg.scid  }
0x8b: {  	s0 =	sand.u32 $0x1, s1  }
0x8c: {  	s17 =	sshll.u32 s0, $0xA;
	s2 =	sadd.s32 s3, s2  }
0x8d: {  	s2 =	sadd.s32 s2, s17  }
0x8e: {  	[smem:$0x3FBA] =	sst s2  }
0x8f: {  	_ = 	snop  }
0x90: {  	s2 =	sld [smem:$0x3FD0];
	(tm) =	ssettm $0x1  }
0x91: {  	s18 =	sld [smem:$0x3FFB];
	_ =	sdelay $0x3  }
0x92: {  	_ =	strace s18  }
0x93: {  	s3 =	sld [smem:$0x3FFC];
	_ =	sdelay $0x3  }
0x94: {  	_ =	strace s3  }
0x95: {  	s3 =	sld [smem:$0x3FFD];
	_ =	sdelay $0x3  }
0x96: {  	_ =	strace s3  }
0x97: {  	_ =	strace $0x8FFFFFFF  }
0x98: {  	s19 =	sld [smem:$0x3FDB];
	_ =	sdelay $0x1  }
0x99: {  	s4 =	simm.s32 $_scs_section_size  }
0x9a: {  	s5 =	simm.s32 $_size__tile_overlayer_lowered;
	s6 =	simm.s32 $_tile_overlayer_lowered  }
0x9b: {  	s22 =	simm.s32 $0x1BFF;
	s21 =	sshll.u32 s6, $0x1;
	s3 =	sadd.s32 s4, s19  }
0x9c: {  	s7 =	simm.s32 $0x0;
	s20 =	sshll.u32 s5, $0x1;
	s5 =	sadd.s32 s21, s3  }
0x9d: {  	[timem:s7], [sflag:s22] =	dma.local [hbm:s5], s20  }
0x9e: {  	_ =	swait.ge [sflag:s22], s20  }
0x9f: {  	s4 =	ssub.s32 $0x0, s20;
	[sflag:s22] =	ssyncset.done $0x0  }
0xa0: {  	[sflag:s22] =	ssyncadd.s32 s4;
	_ =	sdelay $0x1  }
0xa1: {  	s23 =	simm.s32 $0x1B8B  }
0xa2: {  	_ =	swait.ge [sflag:s23], $0x1  }
0xa3: {  	[sflag:s23] =	ssyncset.done $0x0  }
0xa4: {  	s25 =	simm.s32 $0x1B8E;
	s24 =	sld [smem:$0x3FFE];
	[sflag:s23] =	ssyncadd.s32 $0xFFFFFFFF  }
0xa5: {  	s26 =	simm.s32 $execute0_lowered;
	[smem:$0x3FD2] =	sst s25  }
0xa6: {  	s5 =	sshll.u32 s26, $0x1;
	_ =	strace $0x8000004C;
	[dreg:$0x1] =	wrdreg $0xFFFFFFFF  }
0xa7: {  	s28 =	simm.s32 $_size_execute0_lowered;
	s3 =	sadd.s32 s3, s5;
	[dreg:$0x0] =	wrdreg $0x0  }
0xa8: {  	s5 =	sshll.u32 s28, $0x1;
	[dreg:$0x2] =	wrdreg s3  }
0xa9: {  	[dreg:$0x3] =	wrdreg s5  }
0xaa: {  	[dreg:$0x4] =	wrdreg $0xC0  }
0xab: {  	_ =	task [dreg:s7], $0x5FFFF  }
0xac: {  	[dreg:$0x1] =	wrdreg $0xFFFFFFFF  }
0xad: {  	[dreg:$0x0] =	wrdreg $0x60  }
0xae: {  	[dreg:$0x2] =	wrdreg s2  }
0xaf: {  	[dreg:$0x3] =	wrdreg s24  }
0xb0: {  	[dreg:$0x4] =	wrdreg $0x80000  }
0xb1: {  	[dreg:$0x5] =	wrdreg $0x9  }
0xb2: {  	_ =	task.clear_ibuf [dreg:s7], $0x6FFFF;
	_ =	strace $0x9000004C  }
0xb3: {  	s29 =	simm.s32 $0x9;
	_ =	strace $0x8000004E  }
0xb4: {  	_ =	swait.ge [sflag:s29], $0x1  }
0xb5: {  	[sflag:s29] =	ssyncadd.s32 $0xFFFFFFFF  }
0xb6: {  	_ =	strace $0x9000004E  }
0xb7: {  	_ =	sfence  }
0xb8: {  	s30 =	sld [smem:$0x0];
	_ =	sdelay $0x2  }
0xb9: {  	s31 =	sshll.u32 s1, $0xD;
	s1 =	sshrl.u32 s1, $0x2  }
0xba: {  	s3 =	sand.u32 $0x4000, s31;
	s1 =	sadd.s32 s1, s30  }
0xbb: {  	s0 =	sor.u32 s3, s0;
	s1 =	sshll.u32 s1, $0x11  }
0xbc: {  	s0 =	sor.u32 s1, s0  }
0xbd: {  	s0 =	sadd.s32 $0x8F2B, s0  }
0xbe: {  	[sflag:s0] =	ssyncadd.remote.s32 $0x1  }
0xbf: {  	_ =	sfence.sel $0xFFFF  }
0xc0: {  	[dreg:$0x0] =	wrdreg $0xFFFFFFFF;
	(pc) =	sbr.abs _section_cstart, $3  }
0xc1: {  	[dreg:$0x1] =	wrdreg $0xFFFFFFFF  }
0xc2: {  	_ =	task.clear_ibuf [dreg:s7], $0x2FFFF;
	_ =	strace $0x9FFFFFFF  }
0xc3: {  	(tm) =	ssettm $0x7FFFFFFF  }
tec
execute0_lowered:
.L_overlay_start_1:
0x0: {  	(tag) =	ssettag $0x1  }
0x1: {  	s1 =	rddreg [dreg:$0x0]  }
0x2: {  	s4 =	rddreg [dreg:$0x1]  }
0x3: {  	s2 =	rddreg [dreg:$0x2];
	s3 =	srdreg.scid  }
0x4: {  	s0 =	rddreg [dreg:$0x3];
	s7 =	stileid.u32;
	s9 =	simm.s32 $0x50  }
0x5: {  	s10 =	simm.s32 $0x1;
	s11 =	simm.s32 $0x3C00;
	s12 =	simm.s32 $0x7C00  }
0x6: {  	s13 =	simm.s32 $0x3C80;
	s14 =	simm.s32 $0x7C80;
	s15 =	simm.s32 $0x3D00  }
0x7: {  	s16 =	simm.s32 $0x7D00;
	s17 =	simm.s32 $0x3D80;
	s18 =	simm.s32 $0x7D80  }
0x8: {  	s19 =	simm.s32 $0x3E00;
	s20 =	simm.s32 $0x7E00;
	s21 =	simm.s32 $0x4000  }
0x9: {  	s22 =	simm.s32 $0x0;
	s5 =	sand.u32 $0x1, s3;
	s3 =	simm.s32 $0x0  }
0xa: {  	s8 =	sshll.u32 s7, $0xB;
	p0 =	sne.s32 s7, $0x0;
	s7 =	simm.s32 $0x2  }
0xb: {  	s6 =	sshll.u32 s5, $0xF;
	[smem:$0x7FF] =	sst s3;
	s5 =	ssub.s32 $0x2, s5  }
0xc: {  	s6 =	sor.u32 s8, s6;
	_ =	strace $0x8000004D;
	s30 =	sshrl.u32 s5, $0x1  }
0xd: {  	s8 =	sshrl.u32 @!p0 s2, $0x3;
	s6 =	sadd.s32 s6, s4;
	s31 =	ssub.s32 s5, s30  }
0xe: {  	s4 =	sadd.s32 $0x1A00, s6;
	s5 =	sadd.s32 $0x11A00, s6;
	s6 =	smax.u32 s31, $0x1  }
.LBB2_1:
0xf: {  	[tilespmem:s3], [sflag:$0x2] =	stream.linear.gather [hbm4b:s4+s3], $0x3E80, $0x38;
	[tilespmem:$0x8140] =	vst v63  }
0x10: {  	_ =	swait.ge [sflag:s7], $0x3E80  }
0x11: {  	[sflag:s7] =	ssyncset.done $0x0  }
0x12: {  	s23 =	simm.s32 @!p0 $0x1C02;
	[sflag:s7] =	ssyncadd.s32 $0xFFFFC180  }
0x13: {  	[spmem:s8], [sflag:s23] =	dma.local @!p0 [hbm:s1], $0x280  }
0x14: {  	s23 =	simm.s32 @!p0 $0x2  }
0x15: {  	_ =	swait.ge @!p0 [sflag:s23], $0x280  }
0x16: {  	[sflag:s23] =	ssyncset.done @!p0 $0x0  }
0x17: {  	[sflag:s23] =	ssyncadd.s32 @!p0 $0xFFFFFD80  }
0x18: {  	s29 =	simm.s32 $0x0;
	s24 =	simm.s32 $0x4000;
	[bflag:$0x0] =	sbarrier.arrive $0xFFFF  }
0x19: {  	[tilespmem:s24], [sflag:$0x1] =	stream.indirect.gather [spmem:s2], $0x1, s29, s9, $0xb8;
	[tilespmem:$0x8140] =	vst v63  }
0x1a: {  	s30 =	simm.s32 $0x4080;
	s31 =	simm.s32 $0x80  }
0x1b: {  	[tilespmem:s30], [sflag:$0x1] =	stream.indirect.gather [spmem:s2], $0x1, s31, s9, $0xb8;
	[tilespmem:$0x8140] =	vst v63  }
0x1c: {  	s25 =	simm.s32 $0x4100;
	s26 =	simm.s32 $0x100  }
0x1d: {  	[tilespmem:s25], [sflag:$0x1] =	stream.indirect.gather [spmem:s2], $0x1, s26, s9, $0xb8;
	[tilespmem:$0x8140] =	vst v63  }
0x1e: {  	s28 =	simm.s32 $0x4180;
	s29 =	simm.s32 $0x180  }
0x1f: {  	[tilespmem:s28], [sflag:$0x1] =	stream.indirect.gather [spmem:s2], $0x1, s29, s9, $0xb8;
	[tilespmem:$0x8140] =	vst v63  }
0x20: {  	s30 =	simm.s32 $0x4200;
	s31 =	simm.s32 $0x200  }
0x21: {  	[tilespmem:s30], [sflag:$0x1] =	stream.indirect.gather [spmem:s2], $0x1, s31, s9, $0xb8;
	[tilespmem:$0x8140] =	vst v63  }
0x22: {  	s25 =	simm.s32 $0x4280;
	s26 =	simm.s32 $0x280  }
0x23: {  	[tilespmem:s25], [sflag:$0x1] =	stream.indirect.gather [spmem:s2], $0x1, s26, s9, $0xb8;
	[tilespmem:$0x8140] =	vst v63  }
0x24: {  	s28 =	simm.s32 $0x4300;
	s29 =	simm.s32 $0x300  }
0x25: {  	[tilespmem:s28], [sflag:$0x1] =	stream.indirect.gather [spmem:s2], $0x1, s29, s9, $0xb8;
	[tilespmem:$0x8140] =	vst v63  }
0x26: {  	s30 =	simm.s32 $0x4380;
	s31 =	simm.s32 $0x380  }
0x27: {  	[tilespmem:s30], [sflag:$0x1] =	stream.indirect.gather [spmem:s2], $0x1, s31, s9, $0xb8;
	[tilespmem:$0x8140] =	vst v63  }
0x28: {  	_ =	swait.ge [sflag:s10], $0x50  }
0x29: {  	[sflag:s10] =	ssyncset.done $0x0  }
0x2a: {  	[sflag:s10] =	ssyncadd.s32 $0xFFFFFFB0  }
0x2b: {  	_ =	swait.ge [sflag:s10], $0x50  }
0x2c: {  	[sflag:s10] =	ssyncset.done $0x0  }
0x2d: {  	[sflag:s10] =	ssyncadd.s32 $0xFFFFFFB0  }
0x2e: {  	_ =	swait.ge [sflag:s10], $0x50  }
0x2f: {  	[sflag:s10] =	ssyncset.done $0x0  }
0x30: {  	[sflag:s10] =	ssyncadd.s32 $0xFFFFFFB0  }
0x31: {  	_ =	swait.ge [sflag:s10], $0x50  }
0x32: {  	[sflag:s10] =	ssyncset.done $0x0  }
0x33: {  	[sflag:s10] =	ssyncadd.s32 $0xFFFFFFB0  }
0x34: {  	_ =	swait.ge [sflag:s10], $0x50  }
0x35: {  	[sflag:s10] =	ssyncset.done $0x0  }
0x36: {  	[sflag:s10] =	ssyncadd.s32 $0xFFFFFFB0  }
0x37: {  	_ =	swait.ge [sflag:s10], $0x50  }
0x38: {  	[sflag:s10] =	ssyncset.done $0x0  }
0x39: {  	[sflag:s10] =	ssyncadd.s32 $0xFFFFFFB0  }
0x3a: {  	_ =	swait.ge [sflag:s10], $0x50  }
0x3b: {  	[sflag:s10] =	ssyncset.done $0x0  }
0x3c: {  	[sflag:s10] =	ssyncadd.s32 $0xFFFFFFB0  }
0x3d: {  	_ =	swait.ge [sflag:s10], $0x50  }
0x3e: {  	s26 =	simm.s32 $0x2000;
	s25 =	simm.s32 $0x400;
	[sflag:s10] =	ssyncset.done $0x0  }
.LBB2_2:
0x3f: {  	s28 =	sadd.s32 $0x4000, s25  }
0x40: {  	[sflag:s10] =	ssyncadd.s32 $0xFFFFFFB0;
	s24 =	smov.u32 s26;
	s23 =	sadd.s32 $0x1000, s26  }
0x41: {  	[tilespmem:s28], [sflag:$0x1] =	stream.indirect.gather [spmem:s2], $0x1, s25, s9, $0xb8;
	[tilespmem:$0x8140] =	vst v63  }
0x42: {  	p1 =	sne.s32 s26, $0xE000;
	s26 =	sadd.s32 $0x4080, s25;
	s28 =	sadd.s32 $0x80, s25  }
0x43: {  	[tilespmem:s26], [sflag:$0x1] =	stream.indirect.gather [spmem:s2], $0x1, s28, s9, $0xb8;
	[tilespmem:$0x8140] =	vst v63  }
0x44: {  	s26 =	sadd.s32 $0x4100, s25;
	s28 =	sadd.s32 $0x100, s25  }
0x45: {  	[tilespmem:s26], [sflag:$0x1] =	stream.indirect.gather [spmem:s2], $0x1, s28, s9, $0xb8;
	[tilespmem:$0x8140] =	vst v63  }
0x46: {  	s26 =	sadd.s32 $0x4180, s25;
	s28 =	sadd.s32 $0x180, s25  }
0x47: {  	[tilespmem:s26], [sflag:$0x1] =	stream.indirect.gather [spmem:s2], $0x1, s28, s9, $0xb8;
	[tilespmem:$0x8140] =	vst v63  }
0x48: {  	s26 =	sadd.s32 $0x4200, s25;
	s28 =	sadd.s32 $0x200, s25  }
0x49: {  	[tilespmem:s26], [sflag:$0x1] =	stream.indirect.gather [spmem:s2], $0x1, s28, s9, $0xb8;
	[tilespmem:$0x8140] =	vst v63  }
0x4a: {  	s26 =	sadd.s32 $0x4280, s25;
	s28 =	sadd.s32 $0x280, s25  }
0x4b: {  	[tilespmem:s26], [sflag:$0x1] =	stream.indirect.gather [spmem:s2], $0x1, s28, s9, $0xb8;
	[tilespmem:$0x8140] =	vst v63  }
0x4c: {  	s26 =	sadd.s32 $0x4300, s25;
	s28 =	sadd.s32 $0x300, s25  }
0x4d: {  	[tilespmem:s26], [sflag:$0x1] =	stream.indirect.gather [spmem:s2], $0x1, s28, s9, $0xb8;
	[tilespmem:$0x8140] =	vst v63  }
0x4e: {  	s26 =	sadd.s32 $0x4380, s25;
	s25 =	sadd.s32 $0x380, s25  }
0x4f: {  	[tilespmem:s26], [sflag:$0x1] =	stream.indirect.gather [spmem:s2], $0x1, s25, s9, $0xb8;
	[tilespmem:$0x8140] =	vst v63  }
0x50: {  	_ =	swait.ge [sflag:s10], $0x50  }
0x51: {  	[sflag:s10] =	ssyncset.done $0x0  }
0x52: {  	[sflag:s10] =	ssyncadd.s32 $0xFFFFFFB0  }
0x53: {  	_ =	swait.ge [sflag:s10], $0x50  }
0x54: {  	[sflag:s10] =	ssyncset.done $0x0  }
0x55: {  	[sflag:s10] =	ssyncadd.s32 $0xFFFFFFB0  }
0x56: {  	_ =	swait.ge [sflag:s10], $0x50  }
0x57: {  	[sflag:s10] =	ssyncset.done $0x0  }
0x58: {  	[sflag:s10] =	ssyncadd.s32 $0xFFFFFFB0  }
0x59: {  	_ =	swait.ge [sflag:s10], $0x50  }
0x5a: {  	[sflag:s10] =	ssyncset.done $0x0  }
0x5b: {  	[sflag:s10] =	ssyncadd.s32 $0xFFFFFFB0  }
0x5c: {  	_ =	swait.ge [sflag:s10], $0x50  }
0x5d: {  	[sflag:s10] =	ssyncset.done $0x0  }
0x5e: {  	[sflag:s10] =	ssyncadd.s32 $0xFFFFFFB0  }
0x5f: {  	_ =	swait.ge [sflag:s10], $0x50  }
0x60: {  	[sflag:s10] =	ssyncset.done $0x0  }
0x61: {  	[sflag:s10] =	ssyncadd.s32 $0xFFFFFFB0  }
.Ltmp0:
0x62: {  	_ =	swait.ge [sflag:s10], $0x50;
	(pc) =	sbr.rel @p1 .LBB2_2-.Ltmp0, $4  }
0x63: {  	[sflag:s10] =	ssyncset.done $0x0  }
0x64: {  	[sflag:s10] =	ssyncadd.s32 $0xFFFFFFB0  }
0x65: {  	_ =	swait.ge [sflag:s10], $0x50  }
0x66: {  	s25 =	sshra.s32 s24, $0x2;
	s26 =	smov.u32 s23;
	[sflag:s10] =	ssyncset.done $0x0  }
0x67: {  	s23 =	sadd.s32 $0x4000, s25;
	[sflag:s10] =	ssyncadd.s32 $0xFFFFFFB0  }
0x68: {  	[tilespmem:s23], [sflag:$0x1] =	stream.indirect.gather [spmem:s2], $0x1, s25, s9, $0xb8;
	[tilespmem:$0x8140] =	vst v63  }
0x69: {  	s31 =	sadd.s32 $0x4080, s25;
	s24 =	sadd.s32 $0x80, s25  }
0x6a: {  	[tilespmem:s31], [sflag:$0x1] =	stream.indirect.gather [spmem:s2], $0x1, s24, s9, $0xb8;
	[tilespmem:$0x8140] =	vst v63  }
0x6b: {  	s26 =	sadd.s32 $0x100, s25;
	s24 =	sadd.s32 $0x4100, s25  }
0x6c: {  	[tilespmem:s24], [sflag:$0x1] =	stream.indirect.gather [spmem:s2], $0x1, s26, s9, $0xb8;
	[tilespmem:$0x8140] =	vst v63  }
0x6d: {  	s28 =	sadd.s32 $0x4180, s25;
	s29 =	sadd.s32 $0x180, s25  }
0x6e: {  	[tilespmem:s28], [sflag:$0x1] =	stream.indirect.gather [spmem:s2], $0x1, s29, s9, $0xb8;
	[tilespmem:$0x8140] =	vst v63  }
0x6f: {  	s30 =	sadd.s32 $0x4200, s25;
	s31 =	sadd.s32 $0x200, s25  }
0x70: {  	[tilespmem:s30], [sflag:$0x1] =	stream.indirect.gather [spmem:s2], $0x1, s31, s9, $0xb8;
	[tilespmem:$0x8140] =	vst v63  }
0x71: {  	s24 =	sadd.s32 $0x4280, s25;
	s26 =	sadd.s32 $0x280, s25  }
0x72: {  	[tilespmem:s24], [sflag:$0x1] =	stream.indirect.gather [spmem:s2], $0x1, s26, s9, $0xb8;
	[tilespmem:$0x8140] =	vst v63  }
0x73: {  	s28 =	sadd.s32 $0x4300, s25;
	s29 =	sadd.s32 $0x300, s25  }
0x74: {  	[tilespmem:s28], [sflag:$0x1] =	stream.indirect.gather [spmem:s2], $0x1, s29, s9, $0xb8;
	[tilespmem:$0x8140] =	vst v63  }
0x75: {  	s30 =	sadd.s32 $0x4380, s25;
	s31 =	sadd.s32 $0x380, s25  }
0x76: {  	[tilespmem:s30], [sflag:$0x1] =	stream.indirect.gather [spmem:s2], $0x1, s31, s9, $0xb8;
	[tilespmem:$0x8140] =	vst v63  }
0x77: {  	_ =	swait.ge [sflag:s10], $0x50  }
0x78: {  	[sflag:s10] =	ssyncset.done $0x0  }
0x79: {  	[sflag:s10] =	ssyncadd.s32 $0xFFFFFFB0  }
0x7a: {  	_ =	swait.ge [sflag:s10], $0x50  }
0x7b: {  	[sflag:s10] =	ssyncset.done $0x0  }
0x7c: {  	[sflag:s10] =	ssyncadd.s32 $0xFFFFFFB0  }
0x7d: {  	_ =	swait.ge [sflag:s10], $0x50  }
0x7e: {  	[sflag:s10] =	ssyncset.done $0x0  }
0x7f: {  	[sflag:s10] =	ssyncadd.s32 $0xFFFFFFB0  }
0x80: {  	_ =	swait.ge [sflag:s10], $0x50  }
0x81: {  	[sflag:s10] =	ssyncset.done $0x0  }
0x82: {  	[sflag:s10] =	ssyncadd.s32 $0xFFFFFFB0  }
0x83: {  	_ =	swait.ge [sflag:s10], $0x50  }
0x84: {  	[sflag:s10] =	ssyncset.done $0x0  }
0x85: {  	[sflag:s10] =	ssyncadd.s32 $0xFFFFFFB0  }
0x86: {  	_ =	swait.ge [sflag:s10], $0x50  }
0x87: {  	[sflag:s10] =	ssyncset.done $0x0  }
0x88: {  	[sflag:s10] =	ssyncadd.s32 $0xFFFFFFB0  }
0x89: {  	_ =	swait.ge [sflag:s10], $0x50  }
0x8a: {  	[sflag:s10] =	ssyncset.done $0x0  }
0x8b: {  	[sflag:s10] =	ssyncadd.s32 $0xFFFFFFB0  }
0x8c: {  	_ =	swait.ge [sflag:s10], $0x50  }
0x8d: {  	[sflag:s10] =	ssyncset.done $0x0  }
0x8e: {  	[sflag:s10] =	ssyncadd.s32 $0xFFFFFFB0  }
0x8f: {  	[tilespmem:s12], [sflag:$0x1] =	stream.indirect.gather [spmem:s2], $0x1, s11, s9, $0xb8;
	[tilespmem:$0x8140] =	vst v63  }
0x90: {  	_ = 	snop  }
0x91: {  	[tilespmem:s14], [sflag:$0x1] =	stream.indirect.gather [spmem:s2], $0x1, s13, s9, $0xb8;
	[tilespmem:$0x8140] =	vst v63  }
0x92: {  	_ = 	snop  }
0x93: {  	[tilespmem:s16], [sflag:$0x1] =	stream.indirect.gather [spmem:s2], $0x1, s15, s9, $0xb8;
	[tilespmem:$0x8140] =	vst v63  }
0x94: {  	_ = 	snop  }
0x95: {  	[tilespmem:s18], [sflag:$0x1] =	stream.indirect.gather [spmem:s2], $0x1, s17, s9, $0xb8;
	[tilespmem:$0x8140] =	vst v63  }
0x96: {  	_ = 	snop  }
0x97: {  	[tilespmem:s20], [sflag:$0x1] =	stream.indirect.gather [spmem:s2], $0x1, s19, s9, $0xb8;
	[tilespmem:$0x8140] =	vst v63  }
0x98: {  	_ =	swait.ge [sflag:s10], $0x50  }
0x99: {  	[sflag:s10] =	ssyncset.done $0x0  }
0x9a: {  	[sflag:s10] =	ssyncadd.s32 $0xFFFFFFB0  }
0x9b: {  	_ =	swait.ge [sflag:s10], $0x50  }
0x9c: {  	[sflag:s10] =	ssyncset.done $0x0  }
0x9d: {  	[sflag:s10] =	ssyncadd.s32 $0xFFFFFFB0  }
0x9e: {  	_ =	swait.ge [sflag:s10], $0x50  }
0x9f: {  	[sflag:s10] =	ssyncset.done $0x0  }
0xa0: {  	[sflag:s10] =	ssyncadd.s32 $0xFFFFFFB0  }
0xa1: {  	_ =	swait.ge [sflag:s10], $0x50  }
0xa2: {  	[sflag:s10] =	ssyncset.done $0x0  }
0xa3: {  	[sflag:s10] =	ssyncadd.s32 $0xFFFFFFB0  }
0xa4: {  	s22 =	sadd.s32 $0x1, s22;
	_ =	swait.ge [sflag:s10], $0x50  }
0xa5: {  	p1 =	sne.s32 s22, s6;
	[sflag:s10] =	ssyncset.done $0x0  }
.Ltmp1:
0xa6: {  	[sflag:s10] =	ssyncadd.s32 $0xFFFFFFB0;
	(pc) =	sbr.rel @p1 .LBB2_1-.Ltmp1, $4  }
0xa7: {  	[hbm4b:s5+s3] =	stream.linear.scatter [tilespmem:s21], [sflag:$0x2], $0x3E80, $0x38;
	[tilespmem:$0x8140] =	vst v63  }
0xa8: {  	_ =	swait.ge [sflag:s7], $0x3E80  }
0xa9: {  	[sflag:s7] =	ssyncset.done $0x0  }
0xaa: {  	[sflag:s7] =	ssyncadd.s32 $0xFFFFC180  }
0xab: {  	_ =	sfence.sel $0x180000  }
0xac: {  	[bflag:$0x0] =	sbarrier.arrive $0xFFFF  }
0xad: {  	_ =	strace $0x9000004D  }
0xae: {  	s0 =	sadd.s32 @!p0 $0x100000, s0;
	[bflag:$0x2] =	sbarrier.arrive $0xFFFF  }
0xaf: {  	[sflag:s0] =	ssyncadd.tile.s32 @!p0 $0x1;
	_ =	shalt  }
.Lfunc_end2:
_tile_overlayer_lowered:
.L_overlay_start_2:
0xb0: {  	(tag) =	ssettag $0x2  }
0xb1: {  	s0 =	rddreg [dreg:$0x0];
	s2 =	stileid.u32  }
0xb2: {  	s1 =	rddreg [dreg:$0x1];
	p0 =	sne.s32 s2, $0x0  }
0xb3: {  	s3 =	rddreg [dreg:$0x2];
	[bflag:$0x3] =	sbarrier.arrive $0xFFFF;
	s2 =	simm.s32 @!p0 $0x1C02  }
0xb4: {  	[timem:s3], [sflag:s2] =	dma.local @!p0 [hbm:s0], s1  }
0xb5: {  	s0 =	simm.s32 @!p0 $0x2  }
0xb6: {  	_ =	swait.ge @!p0 [sflag:s0], s1  }
0xb7: {  	s1 =	ssub.s32 @!p0 $0x0, s1;
	[sflag:s0] =	ssyncset.done @!p0 $0x0  }
0xb8: {  	[sflag:s0] =	ssyncadd.s32 @!p0 s1  }
0xb9: {  	[bflag:$0x3] =	sbarrier.arrive $0xFFFF  }
0xba: {  	_ =	shalt  }

// kernel: kernel.7.cloned.1.call-start
scs
__scs_entry_jumppad:
0x0: {  	(pc) =	sbr.rel $0x88, $3  }
0x1: {  	(tag) =	ssettag $0x0;
	lr =	simm.s32 $0x1  }
0x2: {  	[smem:$0x3F93] =	sst lr;
	_ =	strace $0xD0000000  }
0x3: {  	_ = 	snop  }
0x4: {  	_ = 	snop  }
0x5: {  	_ = 	snop  }
0x6: {  	_ = 	snop  }
0x7: {  	_ = 	snop  }
__scs_overlays_trampoline_lowered:
0x8: {  	[smem:$0x3FA2] =	sst s0  }
0x9: {  	[smem:$0x3FA3] =	sst s1  }
0xa: {  	[smem:$0x3FA4] =	sst s2  }
0xb: {  	[smem:$0x3FA5] =	sst s3  }
0xc: {  	[smem:$0x3FA6] =	sst s4  }
0xd: {  	[smem:$0x3FA7] =	sst s5  }
0xe: {  	[smem:$0x3FA8] =	sst s6  }
0xf: {  	[smem:$0x3FA9] =	sst s7  }
0x10: {  	[smem:$0x3FAA] =	sst s8  }
0x11: {  	[smem:$0x3FAB] =	sst s9;
	s0 =	simm.s32 @!p0 $0x0  }
0x12: {  	s1 =	sld [smem:$0x3F91];
	s0 =	simm.s32 @p0 $0x1  }
0x13: {  	[smem:$0x3FAC] =	sst s0;
	s0 =	simm.s32 @!p1 $0x0  }
0x14: {  	s2 =	sld [smem:$0x3F90];
	s0 =	simm.s32 @p1 $0x1  }
0x15: {  	[smem:$0x3FAD] =	sst s0;
	s0 =	simm.s32 @!p2 $0x0  }
0x16: {  	s3 =	sld [smem:$0x3FDB];
	s0 =	simm.s32 @p2 $0x1  }
0x17: {  	s4 =	simm.s32 $0x1BF5;
	[smem:$0x3FAF] =	sst s0  }
0x18: {  	s0 =	sld [smem:$0x3F92];
	_ =	swait.ge [sflag:s4], $0x0  }
0x19: {  	s7 =	sld [smem:$0x3F93]  }
0x1a: {  	s8 =	sadd.s32 $0xFFFFE003, lr  }
0x1b: {  	s9 =	sadd.s32 $0xFFFFFEF7, lr;
	s5 =	simm.s32 $0xFFFFFFFF;
	p2 =	slt.u32 s8, $0xFFFFF086  }
0x1c: {  	p1 =	slt.u32 s9, $0xF7A;
	s5 =	simm.s32 @!p2 $0x0  }
0x1d: {  	s5 =	simm.s32 @p1 $0x1;
	p0 =	seq.s32 s7, s2  }
0x1e: {  	s7 =	smul.u32 @!p0 $0xF7A, s2;
	p2 =	seq.s32 @!p0 s5, $0x0  }
0x1f: {  	s9 =	smul.u32 $0xF7A, s1;
	s8 =	simm.s32 @!p0 $0x1BF5;
	p2 =	por !p2, p0  }
0x20: {  	[sflag:s8] =	ssyncset.s32 @!p0 $0xFFFFF086;
	s6 =	sadd.s32 @!p0 s3, s7;
	s7 =	simm.s32 @!p0 $0x108  }
0x21: {  	s3 =	sadd.s32 s3, s9;
	s6 =	sadd.s32 @!p0 $0x88, s6;
	s7 =	simm.s32 @p2 $0x1082  }
0x22: {  	[simem:s7], [sflag:s8] =	dma.local @!p0 [hbm:s6], $0xF7A  }
0x23: {  	s9 =	sor.u32 $0xD0000000, s2;
	s6 =	simm.s32 $0x108;
	_ =	swait.ge @!p0 [sflag:s8], $0x0  }
0x24: {  	s3 =	sadd.s32 $0x88, s3;
	s6 =	simm.s32 @!p1 $0x1082;
	[sflag:s4] =	ssyncset.s32 $0xFFFFF086  }
0x25: {  	[simem:s6], [sflag:s4] =	dma.local [hbm:s3], $0xF7A  }
0x26: {  	[smem:$0x3F93] =	sst s1;
	(tag) =	ssettag s2;
	_ =	strace s9  }
0x27: {  	s1 =	sld [smem:$0x3FA3]  }
0x28: {  	s2 =	sld [smem:$0x3FA4]  }
0x29: {  	s4 =	sld [smem:$0x3FA6]  }
0x2a: {  	p0 =	seq.s32 s5, $0x0;
	s5 =	sld [smem:$0x3FA7]  }
0x2b: {  	s6 =	sld [smem:$0x3FA8]  }
0x2c: {  	s7 =	sld [smem:$0x3FA9]  }
0x2d: {  	s3 =	simm.s32 $0x108;
	s8 =	sld [smem:$0x3FAA]  }
0x2e: {  	s3 =	simm.s32 @!p0 $0x1082;
	s9 =	sld [smem:$0x3FAB]  }
0x2f: {  	lr =	sadd.s32 s0, s3;
	s0 =	sld [smem:$0x3FA2]  }
0x30: {  	s3 =	sld [smem:$0x3FA5]  }
0x31: {  	[smem:$0x3FAE] =	sst s10  }
0x32: {  	s10 =	sld [smem:$0x3FAC];
	_ =	sdelay $0x3  }
0x33: {  	p0 =	seq.s32 s10, $0x1;
	s10 =	sld [smem:$0x3FAE];
	_ =	sdelay $0x3  }
0x34: {  	[smem:$0x3FAE] =	sst s10  }
0x35: {  	s10 =	sld [smem:$0x3FAD];
	_ =	sdelay $0x3  }
0x36: {  	p1 =	seq.s32 s10, $0x1;
	s10 =	sld [smem:$0x3FAE];
	_ =	sdelay $0x3  }
0x37: {  	[smem:$0x3FAE] =	sst s10  }
0x38: {  	s10 =	sld [smem:$0x3FAF]  }
0x39: {  	_ = 	snop;
	(pc) =	sbr.ind lr, $3  }
0x3a: {  	_ = 	snop  }
0x3b: {  	_ = 	snop  }
0x3c: {  	p2 =	seq.s32 s10, $0x1;
	s10 =	sld [smem:$0x3FAE]  }
0x3d: {  	_ =	shalt  }
0x3e: {  	_ =	shalt  }
0x3f: {  	_ =	shalt  }
0x40: {  	_ =	shalt  }
0x41: {  	_ =	shalt  }
0x42: {  	_ =	shalt  }
0x43: {  	_ =	shalt  }
0x44: {  	_ =	shalt  }
0x45: {  	_ =	shalt  }
0x46: {  	_ =	shalt  }
0x47: {  	_ =	shalt  }
0x48: {  	_ =	shalt  }
0x49: {  	_ =	shalt  }
0x4a: {  	_ =	shalt  }
0x4b: {  	_ =	shalt  }
0x4c: {  	_ =	shalt  }
0x4d: {  	_ =	shalt  }
0x4e: {  	_ =	shalt  }
0x4f: {  	_ =	shalt  }
0x50: {  	_ =	shalt  }
0x51: {  	_ =	shalt  }
0x52: {  	_ =	shalt  }
0x53: {  	_ =	shalt  }
0x54: {  	_ =	shalt  }
0x55: {  	_ =	shalt  }
0x56: {  	_ =	shalt  }
0x57: {  	_ =	shalt  }
0x58: {  	_ =	shalt  }
0x59: {  	_ =	shalt  }
0x5a: {  	_ =	shalt  }
0x5b: {  	_ =	shalt  }
0x5c: {  	_ =	shalt  }
0x5d: {  	_ =	shalt  }
0x5e: {  	_ =	shalt  }
0x5f: {  	_ =	shalt  }
0x60: {  	_ =	shalt  }
0x61: {  	_ =	shalt  }
0x62: {  	_ =	shalt  }
0x63: {  	_ =	shalt  }
0x64: {  	_ =	shalt  }
0x65: {  	_ =	shalt  }
0x66: {  	_ =	shalt  }
0x67: {  	_ =	shalt  }
0x68: {  	_ =	shalt  }
0x69: {  	_ =	shalt  }
0x6a: {  	_ =	shalt  }
0x6b: {  	_ =	shalt  }
0x6c: {  	_ =	shalt  }
0x6d: {  	_ =	shalt  }
0x6e: {  	_ =	shalt  }
0x6f: {  	_ =	shalt  }
0x70: {  	_ =	shalt  }
0x71: {  	_ =	shalt  }
0x72: {  	_ =	shalt  }
0x73: {  	_ =	shalt  }
0x74: {  	_ =	shalt  }
0x75: {  	_ =	shalt  }
0x76: {  	_ =	shalt  }
0x77: {  	_ =	shalt  }
0x78: {  	_ =	shalt  }
0x79: {  	_ =	shalt  }
0x7a: {  	_ =	shalt  }
0x7b: {  	_ =	shalt  }
0x7c: {  	_ =	shalt  }
0x7d: {  	_ =	shalt  }
0x7e: {  	_ =	shalt  }
0x7f: {  	_ =	shalt  }
0x80: {  	_ =	shalt  }
0x81: {  	_ =	shalt  }
0x82: {  	_ =	shalt  }
0x83: {  	_ =	shalt  }
0x84: {  	_ =	shalt  }
0x85: {  	_ =	shalt  }
0x86: {  	_ =	shalt  }
0x87: {  	_ =	shalt  }
.Lfunc_end0:
.L_simem_size_0:
called_computation_lowered:
.L_overlay_start_0:
0x88: {  	s2 =	sld [smem:$0x3FD9]  }
0x89: {  	s3 =	sld [smem:$0x3FFE];
	_ =	sdelay $0x1  }
0x8a: {  	s1 =	srdreg.scid  }
0x8b: {  	s0 =	sand.u32 $0x1, s1  }
0x8c: {  	s17 =	sshll.u32 s0, $0xA;
	s2 =	sadd.s32 s3, s2  }
0x8d: {  	s2 =	sadd.s32 s2, s17  }
0x8e: {  	[smem:$0x3FBA] =	sst s2  }
0x8f: {  	_ = 	snop  }
0x90: {  	s2 =	sld [smem:$0x3FD0];
	(tm) =	ssettm $0x1  }
0x91: {  	s18 =	sld [smem:$0x3FFB];
	_ =	sdelay $0x3  }
0x92: {  	_ =	strace s18  }
0x93: {  	s3 =	sld [smem:$0x3FFC];
	_ =	sdelay $0x3  }
0x94: {  	_ =	strace s3  }
0x95: {  	s3 =	sld [smem:$0x3FFD];
	_ =	sdelay $0x3  }
0x96: {  	_ =	strace s3  }
0x97: {  	_ =	strace $0x8FFFFFFF  }
0x98: {  	s19 =	sld [smem:$0x3FDB];
	_ =	sdelay $0x1  }
0x99: {  	s4 =	simm.s32 $_scs_section_size  }
0x9a: {  	s5 =	simm.s32 $_size__tile_overlayer_lowered;
	s6 =	simm.s32 $_tile_overlayer_lowered  }
0x9b: {  	s22 =	simm.s32 $0x1BFF;
	s21 =	sshll.u32 s6, $0x1;
	s3 =	sadd.s32 s4, s19  }
0x9c: {  	s7 =	simm.s32 $0x0;
	s20 =	sshll.u32 s5, $0x1;
	s5 =	sadd.s32 s21, s3  }
0x9d: {  	[timem:s7], [sflag:s22] =	dma.local [hbm:s5], s20  }
0x9e: {  	_ =	swait.ge [sflag:s22], s20  }
0x9f: {  	s4 =	ssub.s32 $0x0, s20;
	[sflag:s22] =	ssyncset.done $0x0  }
0xa0: {  	[sflag:s22] =	ssyncadd.s32 s4;
	_ =	sdelay $0x1  }
0xa1: {  	s23 =	simm.s32 $0x1B8B  }
0xa2: {  	_ =	swait.ge [sflag:s23], $0x1  }
0xa3: {  	[sflag:s23] =	ssyncset.done $0x0  }
0xa4: {  	s25 =	simm.s32 $0x1B8E;
	s24 =	sld [smem:$0x3FFE];
	[sflag:s23] =	ssyncadd.s32 $0xFFFFFFFF  }
0xa5: {  	s26 =	simm.s32 $execute0_lowered;
	[smem:$0x3FD2] =	sst s25  }
0xa6: {  	s5 =	sshll.u32 s26, $0x1;
	_ =	strace $0x80000046;
	[dreg:$0x1] =	wrdreg $0xFFFFFFFF  }
0xa7: {  	s28 =	simm.s32 $_size_execute0_lowered;
	s3 =	sadd.s32 s3, s5;
	[dreg:$0x0] =	wrdreg $0x0  }
0xa8: {  	s5 =	sshll.u32 s28, $0x1;
	[dreg:$0x2] =	wrdreg s3  }
0xa9: {  	[dreg:$0x3] =	wrdreg s5  }
0xaa: {  	[dreg:$0x4] =	wrdreg $0xC0  }
0xab: {  	_ =	task [dreg:s7], $0x5FFFF  }
0xac: {  	[dreg:$0x1] =	wrdreg $0xFFFFFFFF  }
0xad: {  	[dreg:$0x0] =	wrdreg $0x60  }
0xae: {  	[dreg:$0x2] =	wrdreg s24  }
0xaf: {  	[dreg:$0x3] =	wrdreg s2  }
0xb0: {  	[dreg:$0x4] =	wrdreg $0x9  }
0xb1: {  	_ =	task.clear_ibuf [dreg:s7], $0x5FFFF;
	_ =	strace $0x90000046  }
0xb2: {  	s29 =	simm.s32 $0x9;
	_ =	strace $0x80000048  }
0xb3: {  	_ =	swait.ge [sflag:s29], $0x1  }
0xb4: {  	[sflag:s29] =	ssyncadd.s32 $0xFFFFFFFF  }
0xb5: {  	_ =	strace $0x90000048  }
0xb6: {  	_ =	sfence  }
0xb7: {  	s30 =	sld [smem:$0x0];
	_ =	sdelay $0x2  }
0xb8: {  	s31 =	sshll.u32 s1, $0xD;
	s1 =	sshrl.u32 s1, $0x2  }
0xb9: {  	s3 =	sand.u32 $0x4000, s31;
	s1 =	sadd.s32 s1, s30  }
0xba: {  	s0 =	sor.u32 s3, s0;
	s1 =	sshll.u32 s1, $0x11  }
0xbb: {  	s0 =	sor.u32 s1, s0  }
0xbc: {  	s0 =	sadd.s32 $0x8F2B, s0  }
0xbd: {  	[sflag:s0] =	ssyncadd.remote.s32 $0x1  }
0xbe: {  	_ =	sfence.sel $0xFFFF  }
0xbf: {  	[dreg:$0x0] =	wrdreg $0xFFFFFFFF;
	(pc) =	sbr.abs _section_cstart, $3  }
0xc0: {  	[dreg:$0x1] =	wrdreg $0xFFFFFFFF  }
0xc1: {  	_ =	task.clear_ibuf [dreg:s7], $0x2FFFF;
	_ =	strace $0x9FFFFFFF  }
0xc2: {  	(tm) =	ssettm $0x7FFFFFFF  }
0xc3: {  	_ =	shalt  }
tec
execute0_lowered:
.L_overlay_start_1:
0x0: {  	(tag) =	ssettag $0x1  }
0x1: {  	s0 =	srdreg.scid;
	s4 =	rddreg [dreg:$0x0]  }
0x2: {  	s2 =	rddreg [dreg:$0x1];
	s1 =	stileid.u32;
	s3 =	simm.s32 $0x0  }
0x3: {  	s9 =	simm.s32 $0x1;
	s10 =	simm.s32 $0x4000;
	s5 =	sand.u32 $0x1, s0  }
0x4: {  	s11 =	simm.s32 $0x8000;
	s12 =	simm.s32 $0x9400;
	s6 =	sshll.u32 s5, $0x4  }
0x5: {  	s13 =	simm.s32 $0x0;
	s0 =	rddreg [dreg:$0x2];
	s6 =	sor.u32 s1, s6  }
0x6: {  	[smem:$0x7FF] =	sst s3;
	s5 =	ssub.s32 $0x2, s5;
	s7 =	smul.u32 $0x1400, s6  }
0x7: {  	_ =	strace $0x80000047;
	s8 =	sshrl.u32 s5, $0x1;
	s6 =	sshll.u32 s6, $0xB  }
0x8: {  	s8 =	ssub.s32 s5, s8;
	s6 =	sadd.s32 s6, s4;
	s7 =	sshrl.u32 s7, $0x3  }
0x9: {  	s8 =	smax.u32 s8, $0x1;
	s5 =	sadd.s32 $0x1A00, s6;
	s7 =	sadd.s32 s7, s4  }
0xa: {  	v0 =	vimm.f32 $1.000000000e+00;
	s4 =	sadd.s32 $0x11A00, s6;
	s6 =	sadd.s32 $0x21A00, s7;
	s7 =	sadd.s32 $0x26A00, s7  }
.LBB2_1:
0xb: {  	[tilespmem:s3], [sflag:$0x1] =	stream.linear.gather [hbm4b:s4+s3], $0x3E80, $0x38;
	[tilespmem:$0xA800] =	vst v63  }
0xc: {  	_ =	swait.ge [sflag:s9], $0x3E80  }
0xd: {  	[sflag:s9] =	ssyncset.done $0x0  }
0xe: {  	[sflag:s9] =	ssyncadd.s32 $0xFFFFC180  }
0xf: {  	[tilespmem:s10], [sflag:$0x1] =	stream.linear.gather [hbm4b:s5+s3], $0x3E80, $0x38;
	[tilespmem:$0xA800] =	vst v63  }
0x10: {  	_ =	swait.ge [sflag:s9], $0x3E80  }
0x11: {  	[sflag:s9] =	ssyncset.done $0x0  }
0x12: {  	[sflag:s9] =	ssyncadd.s32 $0xFFFFC180  }
0x13: {  	[tilespmem:s11], [sflag:$0x1] =	stream.linear.gather [hbm4b:s2+s3], $0x1400, $0x38;
	[tilespmem:$0xA800] =	vst v63  }
0x14: {  	_ =	swait.ge [sflag:s9], $0x1400  }
0x15: {  	[sflag:s9] =	ssyncset.done $0x0  }
0x16: {  	[sflag:s9] =	ssyncadd.s32 $0xFFFFEC00  }
0x17: {  	[tilespmem:s12], [sflag:$0x1] =	stream.linear.gather [hbm4b:s2+s3], $0x1400, $0x38;
	[tilespmem:$0xA800] =	vst v63  }
0x18: {  	_ =	swait.ge [sflag:s9], $0x1400  }
0x19: {  	[sflag:s9] =	ssyncset.done $0x0  }
0x1a: {  	s14 =	simm.s32 $0x0;
	[sflag:s9] =	ssyncadd.s32 $0xFFFFEC00  }
.LBB2_2:
0x1b: {  	s15 =	sshra.s32 s14, $0x2  }
0x1c: {  	v1 =	vld [tilespmem:s15+$0x0]  }
0x1d: {  	v2 =	vld [tilespmem:s15+$0x4000];
	_ =	sdelay $0x6  }
0x1e: {  	[tilespmem:v1+s11+$0x0] =	vst.idx.add.f32.msk $0xffff, v0  }
0x1f: {  	[tilespmem:v2+s12+$0x0] =	vst.idx.add.f32.msk $0xffff, v0  }
0x20: {  	v1 =	vld [tilespmem:s15+$0x10]  }
0x21: {  	v2 =	vld [tilespmem:s15+$0x4010];
	_ =	sdelay $0x6  }
0x22: {  	[tilespmem:v1+s11+$0x0] =	vst.idx.add.f32.msk $0xffff, v0  }
0x23: {  	[tilespmem:v2+s12+$0x0] =	vst.idx.add.f32.msk $0xffff, v0  }
0x24: {  	v1 =	vld [tilespmem:s15+$0x20]  }
0x25: {  	v2 =	vld [tilespmem:s15+$0x4020];
	_ =	sdelay $0x6  }
0x26: {  	[tilespmem:v1+s11+$0x0] =	vst.idx.add.f32.msk $0xffff, v0  }
0x27: {  	[tilespmem:v2+s12+$0x0] =	vst.idx.add.f32.msk $0xffff, v0  }
0x28: {  	v1 =	vld [tilespmem:s15+$0x30]  }
0x29: {  	v2 =	vld [tilespmem:s15+$0x4030];
	_ =	sdelay $0x6  }
0x2a: {  	[tilespmem:v1+s11+$0x0] =	vst.idx.add.f32.msk $0xffff, v0  }
0x2b: {  	[tilespmem:v2+s12+$0x0] =	vst.idx.add.f32.msk $0xffff, v0  }
0x2c: {  	v1 =	vld [tilespmem:s15+$0x40]  }
0x2d: {  	v2 =	vld [tilespmem:s15+$0x4040];
	_ =	sdelay $0x2  }
0x2e: {  	p0 =	sne.s32 s14, $0xF800  }
.Ltmp0:
0x2f: {  	_ = 	snop;
	(pc) =	sbr.rel @p0 .LBB2_2-.Ltmp0, $3  }
0x30: {  	_ =	sdelay $0x1  }
0x31: {  	[tilespmem:v1+s11+$0x0] =	vst.idx.add.f32.msk $0xffff, v0  }
0x32: {  	s14 =	sadd.s32 $0x200, s14;
	[tilespmem:v2+s12+$0x0] =	vst.idx.add.f32.msk $0xffff, v0  }
0x33: {  	[hbm4b:s6+s3] =	stream.linear.scatter [tilespmem:s11], [sflag:$0x1], $0x1400, $0x38;
	[tilespmem:$0xA800] =	vst v63  }
0x34: {  	s13 =	sadd.s32 $0x1, s13;
	_ =	swait.ge [sflag:s9], $0x1400  }
0x35: {  	p0 =	sne.s32 s13, s8;
	[sflag:s9] =	ssyncset.done $0x0  }
.Ltmp1:
0x36: {  	[sflag:s9] =	ssyncadd.s32 $0xFFFFEC00;
	(pc) =	sbr.rel @p0 .LBB2_1-.Ltmp1, $4  }
0x37: {  	[hbm4b:s7+s3] =	stream.linear.scatter [tilespmem:s12], [sflag:$0x1], $0x1400, $0x38;
	[tilespmem:$0xA800] =	vst v63  }
0x38: {  	_ =	swait.ge [sflag:s9], $0x1400  }
0x39: {  	[sflag:s9] =	ssyncset.done $0x0  }
0x3a: {  	[sflag:s9] =	ssyncadd.s32 $0xFFFFEC00  }
0x3b: {  	_ =	sfence.sel $0x180000  }
0x3c: {  	[bflag:$0x0] =	sbarrier.arrive $0xFFFF  }
0x3d: {  	p0 =	sne.s32 s1, $0x0;
	_ =	strace $0x90000047  }
0x3e: {  	s0 =	sadd.s32 @!p0 $0x100000, s0;
	[bflag:$0x2] =	sbarrier.arrive $0xFFFF  }
0x3f: {  	[sflag:s0] =	ssyncadd.tile.s32 @!p0 $0x1;
	_ =	shalt  }
.Lfunc_end2:
_tile_overlayer_lowered:
.L_overlay_start_2:
0x40: {  	(tag) =	ssettag $0x2  }
0x41: {  	s0 =	rddreg [dreg:$0x0];
	s2 =	stileid.u32  }
0x42: {  	s1 =	rddreg [dreg:$0x1];
	p0 =	sne.s32 s2, $0x0  }
0x43: {  	s3 =	rddreg [dreg:$0x2];
	[bflag:$0x3] =	sbarrier.arrive $0xFFFF;
	s2 =	simm.s32 @!p0 $0x1C01  }
0x44: {  	[timem:s3], [sflag:s2] =	dma.local @!p0 [hbm:s0], s1  }
0x45: {  	s0 =	simm.s32 @!p0 $0x1  }
0x46: {  	_ =	swait.ge @!p0 [sflag:s0], s1  }
0x47: {  	s1 =	ssub.s32 @!p0 $0x0, s1;
	[sflag:s0] =	ssyncset.done @!p0 $0x0  }
0x48: {  	[sflag:s0] =	ssyncadd.s32 @!p0 s1  }
0x49: {  	[bflag:$0x3] =	sbarrier.arrive $0xFFFF  }
0x4a: {  	_ =	shalt  }

</sc_bundles>
